<compile_context>
chip_gen: v7x
topology: tpu7x:2x2x1
jax: 0.10.2.dev20260603
libtpu: 0.0.44.dev20260713+nightly
codegen_flags: <defaults>
</compile_context>

<pallas_src>
import functools
import jax
import jax.numpy as jnp
from jax import lax
from jax.experimental import pallas as pl
from jax.experimental.pallas import tpu as pltpu
from jax.experimental.pallas import tpu_sc as plsc

N_NODES = 10000
P_NODES = 10240
DIM = 128
N_EDGES = 320000
NCORES = 2
NSUB = 16
NW = NCORES * NSUB
CHUNK = 128
CHUNKS = 79
E_PAD = NW * CHUNKS * CHUNK
ROWS_PER_TILE = P_NODES // NSUB

_mesh = plsc.VectorSubcoreMesh(core_axis_name="c", subcore_axis_name="s")


def _zero16():
    return jnp.zeros((16,), jnp.float32)



@functools.partial(
    pl.kernel,
    mesh=_mesh,
    out_type=jax.ShapeDtypeStruct((NCORES, P_NODES, DIM), jnp.float32),
    scratch_types=[
        pltpu.VMEM((CHUNK,), jnp.int32),
        pltpu.VMEM((CHUNK, DIM), jnp.float32),
        pltpu.VMEM_SHARED((P_NODES, DIM), jnp.float32),
        pltpu.SemaphoreType.DMA,
    ],
)
def _sc_deg(dst_hbm, out_hbm, idx_v, rows_v, acc, sem):
    c = lax.axis_index("c")
    s = lax.axis_index("s")
    wid = c * NSUB + s

    zero16 = _zero16()
    one16 = jnp.full((16,), 1.0, jnp.float32)

    def zero_body(i, carry):
        for j in range(DIM // 16):
            rows_v[i, pl.ds(j * 16, 16)] = zero16
        return carry

    lax.fori_loop(0, CHUNK, zero_body, 0)

    for k in range(ROWS_PER_TILE // CHUNK):
        pltpu.sync_copy(rows_v, acc.at[pl.ds(s * ROWS_PER_TILE + k * CHUNK, CHUNK)])

    def ones_body(i, carry):
        for j in range(DIM // 16):
            rows_v[i, pl.ds(j * 16, 16)] = one16
        return carry

    lax.fori_loop(0, CHUNK, ones_body, 0)
    plsc.subcore_barrier()

    def loop_body(ci, carry):
        pltpu.sync_copy(dst_hbm.at[wid, ci], idx_v)
        pltpu.sync_copy(rows_v, acc.at[idx_v], add=True)
        return carry

    lax.fori_loop(0, CHUNKS, loop_body, 0)
    plsc.subcore_barrier()

    pltpu.sync_copy(
        acc.at[pl.ds(s * ROWS_PER_TILE, ROWS_PER_TILE)],
        out_hbm.at[c, pl.ds(s * ROWS_PER_TILE, ROWS_PER_TILE)],
    )



@functools.partial(
    pl.kernel,
    mesh=_mesh,
    out_type=jax.ShapeDtypeStruct((NCORES, P_NODES, DIM), jnp.float32),
    scratch_types=[
        pltpu.VMEM((CHUNK,), jnp.int32),
        pltpu.VMEM((CHUNK,), jnp.int32),
        pltpu.VMEM((CHUNK, DIM), jnp.float32),
        pltpu.VMEM_SHARED((P_NODES, DIM), jnp.float32),
        pltpu.SemaphoreType.DMA,
    ],
)
def _sc_scatter(t_hbm, src_hbm, dst_hbm, out_hbm, si_v, di_v, rows_v, acc, sem):
    c = lax.axis_index("c")
    s = lax.axis_index("s")
    wid = c * NSUB + s

    zero16 = _zero16()

    def zero_body(i, carry):
        for j in range(DIM // 16):
            rows_v[i, pl.ds(j * 16, 16)] = zero16
        return carry

    lax.fori_loop(0, CHUNK, zero_body, 0)

    for k in range(ROWS_PER_TILE // CHUNK):
        pltpu.sync_copy(rows_v, acc.at[pl.ds(s * ROWS_PER_TILE + k * CHUNK, CHUNK)])
    plsc.subcore_barrier()

    def loop_body(ci, carry):
        pltpu.sync_copy(src_hbm.at[wid, ci], si_v)
        pltpu.sync_copy(dst_hbm.at[wid, ci], di_v)
        pltpu.async_copy(t_hbm.at[si_v], rows_v, sem).wait()
        pltpu.sync_copy(rows_v, acc.at[di_v], add=True)
        return carry

    lax.fori_loop(0, CHUNKS, loop_body, 0)
    plsc.subcore_barrier()

    pltpu.sync_copy(
        acc.at[pl.ds(s * ROWS_PER_TILE, ROWS_PER_TILE)],
        out_hbm.at[c, pl.ds(s * ROWS_PER_TILE, ROWS_PER_TILE)],
    )



BLK = 2000
GRID = N_NODES // BLK


def _tc_first_body(x_ref, w_ref, d0_ref, d1_ref, t_ref, n_ref):
    deg = d0_ref[:, :1] + d1_ref[:, :1]
    norm = jnp.where(deg > 0, lax.rsqrt(deg), 0.0)
    t_ref[...] = jnp.dot(x_ref[...], w_ref[...], preferred_element_type=jnp.float32) * norm
    n_ref[...] = norm


_tc_first = pl.pallas_call(
    _tc_first_body,
    grid=(GRID,),
    in_specs=[
        pl.BlockSpec((BLK, DIM), lambda i: (i, 0)),
        pl.BlockSpec((DIM, DIM), lambda i: (0, 0)),
        pl.BlockSpec((BLK, DIM), lambda i: (i, 0)),
        pl.BlockSpec((BLK, DIM), lambda i: (i, 0)),
    ],
    out_specs=[
        pl.BlockSpec((BLK, DIM), lambda i: (i, 0)),
        pl.BlockSpec((BLK, 1), lambda i: (i, 0)),
    ],
    out_shape=[
        jax.ShapeDtypeStruct((N_NODES, DIM), jnp.float32),
        jax.ShapeDtypeStruct((N_NODES, 1), jnp.float32),
    ],
)


def _tc_mid_body(p0_ref, p1_ref, n_ref, w_ref, t_ref):
    norm = n_ref[...]
    x = jnp.maximum((p0_ref[...] + p1_ref[...]) * norm, 0.0)
    t_ref[...] = jnp.dot(x, w_ref[...], preferred_element_type=jnp.float32) * norm


_tc_mid = pl.pallas_call(
    _tc_mid_body,
    grid=(GRID,),
    in_specs=[
        pl.BlockSpec((BLK, DIM), lambda i: (i, 0)),
        pl.BlockSpec((BLK, DIM), lambda i: (i, 0)),
        pl.BlockSpec((BLK, 1), lambda i: (i, 0)),
        pl.BlockSpec((DIM, DIM), lambda i: (0, 0)),
    ],
    out_specs=pl.BlockSpec((BLK, DIM), lambda i: (i, 0)),
    out_shape=jax.ShapeDtypeStruct((N_NODES, DIM), jnp.float32),
)


def _tc_last_body(p0_ref, p1_ref, n_ref, o_ref):
    o_ref[...] = (p0_ref[...] + p1_ref[...]) * n_ref[...]


_tc_last = pl.pallas_call(
    _tc_last_body,
    grid=(GRID,),
    in_specs=[
        pl.BlockSpec((BLK, DIM), lambda i: (i, 0)),
        pl.BlockSpec((BLK, DIM), lambda i: (i, 0)),
        pl.BlockSpec((BLK, 1), lambda i: (i, 0)),
    ],
    out_specs=pl.BlockSpec((BLK, DIM), lambda i: (i, 0)),
    out_shape=jax.ShapeDtypeStruct((N_NODES, DIM), jnp.float32),
)



def kernel(features, edge_index, W0, W1, W2):
    src = edge_index[0].astype(jnp.int32)
    dst = edge_index[1].astype(jnp.int32)
    n_pad = E_PAD - N_EDGES
    pad_s = jnp.zeros((n_pad,), jnp.int32)
    pad_d = N_NODES + (jnp.arange(n_pad, dtype=jnp.int32) % (P_NODES - N_NODES))
    src_p = jnp.concatenate([src, pad_s]).reshape(NW, CHUNKS, CHUNK)
    dst_p = jnp.concatenate([dst, pad_d]).reshape(NW, CHUNKS, CHUNK)

    degp = _sc_deg(dst_p)
    t1, norm = _tc_first(features, W0, degp[0], degp[1])
    p = _sc_scatter(t1, src_p, dst_p)
    t2 = _tc_mid(p[0], p[1], norm, W1)
    p = _sc_scatter(t2, src_p, dst_p)
    t3 = _tc_mid(p[0], p[1], norm, W2)
    p = _sc_scatter(t3, src_p, dst_p)
    return _tc_last(p[0], p[1], norm)

# --- scband reference (transcript-rebuilt; emitter-appended) ---
"""Pipeline reference for scband-gcn-36275293782549 (READ-ONLY COPY).

The authoritative reference and input builder live on the scoring server;
editing this copy changes nothing except your own understanding.
"""

import jax, jax.numpy as jnp
import numpy as np
import math

N_NODES = 10000
N_EDGES = 320000
IN_DIM = 128
HIDDEN_DIM = 128
OUT_DIM = 128


def _init_weight(key, din, dout):
    stdv = 1.0 / math.sqrt(dout)
    return jax.random.uniform(key, (din, dout), minval=-stdv, maxval=stdv, dtype=jnp.float32)


def setup_inputs(seed: int = 0) -> dict:
    key = jax.random.key(seed)
    k1, k2, k3, k4, k5 = jax.random.split(key, 5)
    features = jax.random.normal(k1, (N_NODES, IN_DIM), dtype=jnp.float32)
    edge_index = jax.random.randint(k2, (2, N_EDGES), 0, N_NODES, dtype=jnp.int32).astype(jnp.int64)
    W0 = _init_weight(k3, IN_DIM, HIDDEN_DIM)
    W1 = _init_weight(k4, HIDDEN_DIM, HIDDEN_DIM)
    W2 = _init_weight(k5, HIDDEN_DIM, OUT_DIM)
    return {"features": features, "edge_index": edge_index, "W0": W0, "W1": W1, "W2": W2}


def reference(features, edge_index, W0, W1, W2):
    src = edge_index[0]
    dst = edge_index[1]
    # in-degrees and symmetric normalization D^{-1/2}
    deg = jnp.zeros((N_NODES,), dtype=jnp.float32).at[dst].add(1.0)
    norm = jnp.where(deg > 0, jax.lax.rsqrt(deg), 0.0)[:, None]

    def gcn_layer(h, W, apply_act):
        h = h @ W
        h = h * norm
        # copy_src -> sum at dst (scatter-add)
        agg = jnp.zeros((N_NODES, h.shape[1]), dtype=h.dtype).at[dst].add(h[src])
        h = agg * norm
        if apply_act:
            h = jax.nn.relu(h)
        return h

    h = gcn_layer(features, W0, True)
    h = gcn_layer(h, W1, True)
    h = gcn_layer(h, W2, False)
    return h

if __name__ == "__main__":
    import jax
    _d = setup_inputs()
    print(jax.jit(kernel)(*tuple(_d.values())))

</pallas_src>

<mosaic_0001>
#map = affine_map<(d0, d1) -> (0, 0, 0)>
module attributes {stable_mosaic.version = 14 : i64} {
  func.func @_sc_deg(%arg0: i32, %arg1: i32, %arg2: memref<32x79x128xi32, #tpu.memory_space<hbm>>, %arg3: memref<2x10240x128xf32, #tpu.memory_space<hbm>>, %arg4: memref<128xi32, #tpu.memory_space<vmem>>, %arg5: memref<128x128xf32, #tpu.memory_space<vmem>>, %arg6: memref<10240x128xf32, #tpu.memory_space<vmem_shared>>, %arg7: memref<!tpu.dma_semaphore, #tpu.memory_space<semaphore_mem>>) attributes {dimension_semantics = [#tpu.dimension_semantics<core_parallel>, #tpu.dimension_semantics<subcore_parallel>], iteration_bounds = array<i64: 2, 16>, scalar_prefetch = 0 : i64, scratch_operands = 4 : i64, tpu.core_type = #tpu.core_type<sc_vector_subcore>, window_params = [{transform_indices = #map}, {transform_indices = #map}]} {
    %mul3A = arith.constant 16 : i32
    %mul3A_0 = arith.muli %arg0, %mul3A : i32
    %add3A = arith.addi %mul3A_0, %arg1 : i32
    %broadcast_in_dim3A = arith.constant 0.000000e+00 : f32
    %broadcast_in_dim3A_1 = vector.broadcast %broadcast_in_dim3A : f32 to vector<16xf32>
    %broadcast_in_dim3A_2 = arith.constant 1.000000e+00 : f32
    %broadcast_in_dim3A_3 = vector.broadcast %broadcast_in_dim3A_2 : f32 to vector<16xf32>
    %scan3A = arith.constant 0 : i32
    %scan3A_4 = arith.constant 0 : i32
    %scan3A_5 = arith.constant 128 : i32
    %scan3A_6 = arith.addi %scan3A_4, %scan3A_5 : i32
    %scan3A_7 = arith.constant 1 : i32
    scf.for %scan3A_46 = %scan3A_4 to %scan3A_6 step %scan3A_7  : i32 {
      %swap3A = arith.index_cast %scan3A_46 : i32 to index
      %swap3A_47 = arith.constant 0 : index
      %swap3A_48 = tpu.vector_load %arg5[%swap3A, %swap3A_47] {strides = array<i32>} : memref<128x128xf32, #tpu.memory_space<vmem>>, vector<1x16xf32>,
      %swap3A_49 = vector.shape_cast %swap3A_48 : vector<1x16xf32> to vector<16xf32>
      %swap3A_50 = vector.shape_cast %broadcast_in_dim3A_1 : vector<16xf32> to vector<1x16xf32>
      tpu.vector_store %arg5[%swap3A, %swap3A_47], %swap3A_50 {strides = array<i32>} : memref<128x128xf32, #tpu.memory_space<vmem>>, vector<1x16xf32>,
      %swap3A_51 = arith.index_cast %scan3A_46 : i32 to index
      %swap3A_52 = arith.constant 16 : index
      %swap3A_53 = tpu.vector_load %arg5[%swap3A_51, %swap3A_52] {strides = array<i32>} : memref<128x128xf32, #tpu.memory_space<vmem>>, vector<1x16xf32>,
      %swap3A_54 = vector.shape_cast %swap3A_53 : vector<1x16xf32> to vector<16xf32>
      %swap3A_55 = vector.shape_cast %broadcast_in_dim3A_1 : vector<16xf32> to vector<1x16xf32>
      tpu.vector_store %arg5[%swap3A_51, %swap3A_52], %swap3A_55 {strides = array<i32>} : memref<128x128xf32, #tpu.memory_space<vmem>>, vector<1x16xf32>,
      %swap3A_56 = arith.index_cast %scan3A_46 : i32 to index
      %swap3A_57 = arith.constant 32 : index
      %swap3A_58 = tpu.vector_load %arg5[%swap3A_56, %swap3A_57] {strides = array<i32>} : memref<128x128xf32, #tpu.memory_space<vmem>>, vector<1x16xf32>,
      %swap3A_59 = vector.shape_cast %swap3A_58 : vector<1x16xf32> to vector<16xf32>
      %swap3A_60 = vector.shape_cast %broadcast_in_dim3A_1 : vector<16xf32> to vector<1x16xf32>
      tpu.vector_store %arg5[%swap3A_56, %swap3A_57], %swap3A_60 {strides = array<i32>} : memref<128x128xf32, #tpu.memory_space<vmem>>, vector<1x16xf32>,
      %swap3A_61 = arith.index_cast %scan3A_46 : i32 to index
      %swap3A_62 = arith.constant 48 : index
      %swap3A_63 = tpu.vector_load %arg5[%swap3A_61, %swap3A_62] {strides = array<i32>} : memref<128x128xf32, #tpu.memory_space<vmem>>, vector<1x16xf32>,
      %swap3A_64 = vector.shape_cast %swap3A_63 : vector<1x16xf32> to vector<16xf32>
      %swap3A_65 = vector.shape_cast %broadcast_in_dim3A_1 : vector<16xf32> to vector<1x16xf32>
      tpu.vector_store %arg5[%swap3A_61, %swap3A_62], %swap3A_65 {strides = array<i32>} : memref<128x128xf32, #tpu.memory_space<vmem>>, vector<1x16xf32>,
      %swap3A_66 = arith.index_cast %scan3A_46 : i32 to index
      %swap3A_67 = arith.constant 64 : index
      %swap3A_68 = tpu.vector_load %arg5[%swap3A_66, %swap3A_67] {strides = array<i32>} : memref<128x128xf32, #tpu.memory_space<vmem>>, vector<1x16xf32>,
      %swap3A_69 = vector.shape_cast %swap3A_68 : vector<1x16xf32> to vector<16xf32>
      %swap3A_70 = vector.shape_cast %broadcast_in_dim3A_1 : vector<16xf32> to vector<1x16xf32>
      tpu.vector_store %arg5[%swap3A_66, %swap3A_67], %swap3A_70 {strides = array<i32>} : memref<128x128xf32, #tpu.memory_space<vmem>>, vector<1x16xf32>,
      %swap3A_71 = arith.index_cast %scan3A_46 : i32 to index
      %swap3A_72 = arith.constant 80 : index
      %swap3A_73 = tpu.vector_load %arg5[%swap3A_71, %swap3A_72] {strides = array<i32>} : memref<128x128xf32, #tpu.memory_space<vmem>>, vector<1x16xf32>,
      %swap3A_74 = vector.shape_cast %swap3A_73 : vector<1x16xf32> to vector<16xf32>
      %swap3A_75 = vector.shape_cast %broadcast_in_dim3A_1 : vector<16xf32> to vector<1x16xf32>
      tpu.vector_store %arg5[%swap3A_71, %swap3A_72], %swap3A_75 {strides = array<i32>} : memref<128x128xf32, #tpu.memory_space<vmem>>, vector<1x16xf32>,
      %swap3A_76 = arith.index_cast %scan3A_46 : i32 to index
      %swap3A_77 = arith.constant 96 : index
      %swap3A_78 = tpu.vector_load %arg5[%swap3A_76, %swap3A_77] {strides = array<i32>} : memref<128x128xf32, #tpu.memory_space<vmem>>, vector<1x16xf32>,
      %swap3A_79 = vector.shape_cast %swap3A_78 : vector<1x16xf32> to vector<16xf32>
      %swap3A_80 = vector.shape_cast %broadcast_in_dim3A_1 : vector<16xf32> to vector<1x16xf32>
      tpu.vector_store %arg5[%swap3A_76, %swap3A_77], %swap3A_80 {strides = array<i32>} : memref<128x128xf32, #tpu.memory_space<vmem>>, vector<1x16xf32>,
      %swap3A_81 = arith.index_cast %scan3A_46 : i32 to index
      %swap3A_82 = arith.constant 112 : index
      %swap3A_83 = tpu.vector_load %arg5[%swap3A_81, %swap3A_82] {strides = array<i32>} : memref<128x128xf32, #tpu.memory_space<vmem>>, vector<1x16xf32>,
      %swap3A_84 = vector.shape_cast %swap3A_83 : vector<1x16xf32> to vector<16xf32>
      %swap3A_85 = vector.shape_cast %broadcast_in_dim3A_1 : vector<16xf32> to vector<1x16xf32>
      tpu.vector_store %arg5[%swap3A_81, %swap3A_82], %swap3A_85 {strides = array<i32>} : memref<128x128xf32, #tpu.memory_space<vmem>>, vector<1x16xf32>,
    }
    %scan3A_8 = arith.constant 128 : i32
    %mul3A_9 = arith.constant 640 : i32
    %mul3A_10 = arith.muli %arg1, %mul3A_9 : i32
    %add3A_11 = arith.constant 0 : i32
    %add3A_12 = arith.addi %mul3A_10, %add3A_11 : i32
    "tpu.region"() ({
      %run_scoped3A = tpu.sem_alloc : memref<!tpu.dma_semaphore, #tpu.memory_space<semaphore_mem>>
      %dma_start3A = arith.constant 0 : i32
      %dma_start3A_46 = tpu.memref_slice %arg6[%add3A_12, %dma_start3A] : memref<10240x128xf32, #tpu.memory_space<vmem_shared>> -> memref<128x128xf32, #tpu.memory_space<vmem_shared>>
      %dma_start3A_47 = arith.constant 0 : i32
      %dma_start3A_48 = tpu.memref_slice %arg6[%add3A_12, %dma_start3A_47] : memref<10240x128xf32, #tpu.memory_space<vmem_shared>> -> memref<128x128xf32, #tpu.memory_space<vmem_shared>>
      tpu.enqueue_dma source(%arg5 : memref<128x128xf32, #tpu.memory_space<vmem>>) target(%dma_start3A_48 : memref<128x128xf32, #tpu.memory_space<vmem_shared>>) target_semaphore(%run_scoped3A : memref<!tpu.dma_semaphore, #tpu.memory_space<semaphore_mem>>)
      %dma_wait3A = arith.constant 0 : i32
      %dma_wait3A_49 = tpu.memref_slice %arg6[%add3A_12, %dma_wait3A] : memref<10240x128xf32, #tpu.memory_space<vmem_shared>> -> memref<128x128xf32, #tpu.memory_space<vmem_shared>>
      %dma_wait3A_50 = arith.constant 0 : i32
      %dma_wait3A_51 = tpu.memref_slice %arg6[%add3A_12, %dma_wait3A_50] : memref<10240x128xf32, #tpu.memory_space<vmem_shared>> -> memref<128x128xf32, #tpu.memory_space<vmem_shared>>
      tpu.wait_dma2 semaphore(%run_scoped3A : memref<!tpu.dma_semaphore, #tpu.memory_space<semaphore_mem>>) src(%arg5 : memref<128x128xf32, #tpu.memory_space<vmem>>) dst(%dma_wait3A_51 : memref<128x128xf32, #tpu.memory_space<vmem_shared>>)
      tpu.yield
    }) : () -> ()
    %mul3A_13 = arith.constant 640 : i32
    %mul3A_14 = arith.muli %arg1, %mul3A_13 : i32
    %add3A_15 = arith.constant 128 : i32
    %add3A_16 = arith.addi %mul3A_14, %add3A_15 : i32
    "tpu.region"() ({
      %run_scoped3A = tpu.sem_alloc : memref<!tpu.dma_semaphore, #tpu.memory_space<semaphore_mem>>
      %dma_start3A = arith.constant 0 : i32
      %dma_start3A_46 = tpu.memref_slice %arg6[%add3A_16, %dma_start3A] : memref<10240x128xf32, #tpu.memory_space<vmem_shared>> -> memref<128x128xf32, #tpu.memory_space<vmem_shared>>
      %dma_start3A_47 = arith.constant 0 : i32
      %dma_start3A_48 = tpu.memref_slice %arg6[%add3A_16, %dma_start3A_47] : memref<10240x128xf32, #tpu.memory_space<vmem_shared>> -> memref<128x128xf32, #tpu.memory_space<vmem_shared>>
      tpu.enqueue_dma source(%arg5 : memref<128x128xf32, #tpu.memory_space<vmem>>) target(%dma_start3A_48 : memref<128x128xf32, #tpu.memory_space<vmem_shared>>) target_semaphore(%run_scoped3A : memref<!tpu.dma_semaphore, #tpu.memory_space<semaphore_mem>>)
      %dma_wait3A = arith.constant 0 : i32
      %dma_wait3A_49 = tpu.memref_slice %arg6[%add3A_16, %dma_wait3A] : memref<10240x128xf32, #tpu.memory_space<vmem_shared>> -> memref<128x128xf32, #tpu.memory_space<vmem_shared>>
      %dma_wait3A_50 = arith.constant 0 : i32
      %dma_wait3A_51 = tpu.memref_slice %arg6[%add3A_16, %dma_wait3A_50] : memref<10240x128xf32, #tpu.memory_space<vmem_shared>> -> memref<128x128xf32, #tpu.memory_space<vmem_shared>>
      tpu.wait_dma2 semaphore(%run_scoped3A : memref<!tpu.dma_semaphore, #tpu.memory_space<semaphore_mem>>) src(%arg5 : memref<128x128xf32, #tpu.memory_space<vmem>>) dst(%dma_wait3A_51 : memref<128x128xf32, #tpu.memory_space<vmem_shared>>)
      tpu.yield
    }) : () -> ()
    %mul3A_17 = arith.constant 640 : i32
    %mul3A_18 = arith.muli %arg1, %mul3A_17 : i32
    %add3A_19 = arith.constant 256 : i32
    %add3A_20 = arith.addi %mul3A_18, %add3A_19 : i32
    "tpu.region"() ({
      %run_scoped3A = tpu.sem_alloc : memref<!tpu.dma_semaphore, #tpu.memory_space<semaphore_mem>>
      %dma_start3A = arith.constant 0 : i32
      %dma_start3A_46 = tpu.memref_slice %arg6[%add3A_20, %dma_start3A] : memref<10240x128xf32, #tpu.memory_space<vmem_shared>> -> memref<128x128xf32, #tpu.memory_space<vmem_shared>>
      %dma_start3A_47 = arith.constant 0 : i32
      %dma_start3A_48 = tpu.memref_slice %arg6[%add3A_20, %dma_start3A_47] : memref<10240x128xf32, #tpu.memory_space<vmem_shared>> -> memref<128x128xf32, #tpu.memory_space<vmem_shared>>
      tpu.enqueue_dma source(%arg5 : memref<128x128xf32, #tpu.memory_space<vmem>>) target(%dma_start3A_48 : memref<128x128xf32, #tpu.memory_space<vmem_shared>>) target_semaphore(%run_scoped3A : memref<!tpu.dma_semaphore, #tpu.memory_space<semaphore_mem>>)
      %dma_wait3A = arith.constant 0 : i32
      %dma_wait3A_49 = tpu.memref_slice %arg6[%add3A_20, %dma_wait3A] : memref<10240x128xf32, #tpu.memory_space<vmem_shared>> -> memref<128x128xf32, #tpu.memory_space<vmem_shared>>
      %dma_wait3A_50 = arith.constant 0 : i32
      %dma_wait3A_51 = tpu.memref_slice %arg6[%add3A_20, %dma_wait3A_50] : memref<10240x128xf32, #tpu.memory_space<vmem_shared>> -> memref<128x128xf32, #tpu.memory_space<vmem_shared>>
      tpu.wait_dma2 semaphore(%run_scoped3A : memref<!tpu.dma_semaphore, #tpu.memory_space<semaphore_mem>>) src(%arg5 : memref<128x128xf32, #tpu.memory_space<vmem>>) dst(%dma_wait3A_51 : memref<128x128xf32, #tpu.memory_space<vmem_shared>>)
      tpu.yield
    }) : () -> ()
    %mul3A_21 = arith.constant 640 : i32
    %mul3A_22 = arith.muli %arg1, %mul3A_21 : i32
    %add3A_23 = arith.constant 384 : i32
    %add3A_24 = arith.addi %mul3A_22, %add3A_23 : i32
    "tpu.region"() ({
      %run_scoped3A = tpu.sem_alloc : memref<!tpu.dma_semaphore, #tpu.memory_space<semaphore_mem>>
      %dma_start3A = arith.constant 0 : i32
      %dma_start3A_46 = tpu.memref_slice %arg6[%add3A_24, %dma_start3A] : memref<10240x128xf32, #tpu.memory_space<vmem_shared>> -> memref<128x128xf32, #tpu.memory_space<vmem_shared>>
      %dma_start3A_47 = arith.constant 0 : i32
      %dma_start3A_48 = tpu.memref_slice %arg6[%add3A_24, %dma_start3A_47] : memref<10240x128xf32, #tpu.memory_space<vmem_shared>> -> memref<128x128xf32, #tpu.memory_space<vmem_shared>>
      tpu.enqueue_dma source(%arg5 : memref<128x128xf32, #tpu.memory_space<vmem>>) target(%dma_start3A_48 : memref<128x128xf32, #tpu.memory_space<vmem_shared>>) target_semaphore(%run_scoped3A : memref<!tpu.dma_semaphore, #tpu.memory_space<semaphore_mem>>)
      %dma_wait3A = arith.constant 0 : i32
      %dma_wait3A_49 = tpu.memref_slice %arg6[%add3A_24, %dma_wait3A] : memref<10240x128xf32, #tpu.memory_space<vmem_shared>> -> memref<128x128xf32, #tpu.memory_space<vmem_shared>>
      %dma_wait3A_50 = arith.constant 0 : i32
      %dma_wait3A_51 = tpu.memref_slice %arg6[%add3A_24, %dma_wait3A_50] : memref<10240x128xf32, #tpu.memory_space<vmem_shared>> -> memref<128x128xf32, #tpu.memory_space<vmem_shared>>
      tpu.wait_dma2 semaphore(%run_scoped3A : memref<!tpu.dma_semaphore, #tpu.memory_space<semaphore_mem>>) src(%arg5 : memref<128x128xf32, #tpu.memory_space<vmem>>) dst(%dma_wait3A_51 : memref<128x128xf32, #tpu.memory_space<vmem_shared>>)
      tpu.yield
    }) : () -> ()
    %mul3A_25 = arith.constant 640 : i32
    %mul3A_26 = arith.muli %arg1, %mul3A_25 : i32
    %add3A_27 = arith.constant 512 : i32
    %add3A_28 = arith.addi %mul3A_26, %add3A_27 : i32
    "tpu.region"() ({
      %run_scoped3A = tpu.sem_alloc : memref<!tpu.dma_semaphore, #tpu.memory_space<semaphore_mem>>
      %dma_start3A = arith.constant 0 : i32
      %dma_start3A_46 = tpu.memref_slice %arg6[%add3A_28, %dma_start3A] : memref<10240x128xf32, #tpu.memory_space<vmem_shared>> -> memref<128x128xf32, #tpu.memory_space<vmem_shared>>
      %dma_start3A_47 = arith.constant 0 : i32
      %dma_start3A_48 = tpu.memref_slice %arg6[%add3A_28, %dma_start3A_47] : memref<10240x128xf32, #tpu.memory_space<vmem_shared>> -> memref<128x128xf32, #tpu.memory_space<vmem_shared>>
      tpu.enqueue_dma source(%arg5 : memref<128x128xf32, #tpu.memory_space<vmem>>) target(%dma_start3A_48 : memref<128x128xf32, #tpu.memory_space<vmem_shared>>) target_semaphore(%run_scoped3A : memref<!tpu.dma_semaphore, #tpu.memory_space<semaphore_mem>>)
      %dma_wait3A = arith.constant 0 : i32
      %dma_wait3A_49 = tpu.memref_slice %arg6[%add3A_28, %dma_wait3A] : memref<10240x128xf32, #tpu.memory_space<vmem_shared>> -> memref<128x128xf32, #tpu.memory_space<vmem_shared>>
      %dma_wait3A_50 = arith.constant 0 : i32
      %dma_wait3A_51 = tpu.memref_slice %arg6[%add3A_28, %dma_wait3A_50] : memref<10240x128xf32, #tpu.memory_space<vmem_shared>> -> memref<128x128xf32, #tpu.memory_space<vmem_shared>>
      tpu.wait_dma2 semaphore(%run_scoped3A : memref<!tpu.dma_semaphore, #tpu.memory_space<semaphore_mem>>) src(%arg5 : memref<128x128xf32, #tpu.memory_space<vmem>>) dst(%dma_wait3A_51 : memref<128x128xf32, #tpu.memory_space<vmem_shared>>)
      tpu.yield
    }) : () -> ()
    %scan3A_29 = arith.constant 0 : i32
    %scan3A_30 = arith.constant 0 : i32
    %scan3A_31 = arith.constant 128 : i32
    %scan3A_32 = arith.addi %scan3A_30, %scan3A_31 : i32
    %scan3A_33 = arith.constant 1 : i32
    scf.for %scan3A_46 = %scan3A_30 to %scan3A_32 step %scan3A_33  : i32 {
      %swap3A = arith.index_cast %scan3A_46 : i32 to index
      %swap3A_47 = arith.constant 0 : index
      %swap3A_48 = tpu.vector_load %arg5[%swap3A, %swap3A_47] {strides = array<i32>} : memref<128x128xf32, #tpu.memory_space<vmem>>, vector<1x16xf32>,
      %swap3A_49 = vector.shape_cast %swap3A_48 : vector<1x16xf32> to vector<16xf32>
      %swap3A_50 = vector.shape_cast %broadcast_in_dim3A_3 : vector<16xf32> to vector<1x16xf32>
      tpu.vector_store %arg5[%swap3A, %swap3A_47], %swap3A_50 {strides = array<i32>} : memref<128x128xf32, #tpu.memory_space<vmem>>, vector<1x16xf32>,
      %swap3A_51 = arith.index_cast %scan3A_46 : i32 to index
      %swap3A_52 = arith.constant 16 : index
      %swap3A_53 = tpu.vector_load %arg5[%swap3A_51, %swap3A_52] {strides = array<i32>} : memref<128x128xf32, #tpu.memory_space<vmem>>, vector<1x16xf32>,
      %swap3A_54 = vector.shape_cast %swap3A_53 : vector<1x16xf32> to vector<16xf32>
      %swap3A_55 = vector.shape_cast %broadcast_in_dim3A_3 : vector<16xf32> to vector<1x16xf32>
      tpu.vector_store %arg5[%swap3A_51, %swap3A_52], %swap3A_55 {strides = array<i32>} : memref<128x128xf32, #tpu.memory_space<vmem>>, vector<1x16xf32>,
      %swap3A_56 = arith.index_cast %scan3A_46 : i32 to index
      %swap3A_57 = arith.constant 32 : index
      %swap3A_58 = tpu.vector_load %arg5[%swap3A_56, %swap3A_57] {strides = array<i32>} : memref<128x128xf32, #tpu.memory_space<vmem>>, vector<1x16xf32>,
      %swap3A_59 = vector.shape_cast %swap3A_58 : vector<1x16xf32> to vector<16xf32>
      %swap3A_60 = vector.shape_cast %broadcast_in_dim3A_3 : vector<16xf32> to vector<1x16xf32>
      tpu.vector_store %arg5[%swap3A_56, %swap3A_57], %swap3A_60 {strides = array<i32>} : memref<128x128xf32, #tpu.memory_space<vmem>>, vector<1x16xf32>,
      %swap3A_61 = arith.index_cast %scan3A_46 : i32 to index
      %swap3A_62 = arith.constant 48 : index
      %swap3A_63 = tpu.vector_load %arg5[%swap3A_61, %swap3A_62] {strides = array<i32>} : memref<128x128xf32, #tpu.memory_space<vmem>>, vector<1x16xf32>,
      %swap3A_64 = vector.shape_cast %swap3A_63 : vector<1x16xf32> to vector<16xf32>
      %swap3A_65 = vector.shape_cast %broadcast_in_dim3A_3 : vector<16xf32> to vector<1x16xf32>
      tpu.vector_store %arg5[%swap3A_61, %swap3A_62], %swap3A_65 {strides = array<i32>} : memref<128x128xf32, #tpu.memory_space<vmem>>, vector<1x16xf32>,
      %swap3A_66 = arith.index_cast %scan3A_46 : i32 to index
      %swap3A_67 = arith.constant 64 : index
      %swap3A_68 = tpu.vector_load %arg5[%swap3A_66, %swap3A_67] {strides = array<i32>} : memref<128x128xf32, #tpu.memory_space<vmem>>, vector<1x16xf32>,
      %swap3A_69 = vector.shape_cast %swap3A_68 : vector<1x16xf32> to vector<16xf32>
      %swap3A_70 = vector.shape_cast %broadcast_in_dim3A_3 : vector<16xf32> to vector<1x16xf32>
      tpu.vector_store %arg5[%swap3A_66, %swap3A_67], %swap3A_70 {strides = array<i32>} : memref<128x128xf32, #tpu.memory_space<vmem>>, vector<1x16xf32>,
      %swap3A_71 = arith.index_cast %scan3A_46 : i32 to index
      %swap3A_72 = arith.constant 80 : index
      %swap3A_73 = tpu.vector_load %arg5[%swap3A_71, %swap3A_72] {strides = array<i32>} : memref<128x128xf32, #tpu.memory_space<vmem>>, vector<1x16xf32>,
      %swap3A_74 = vector.shape_cast %swap3A_73 : vector<1x16xf32> to vector<16xf32>
      %swap3A_75 = vector.shape_cast %broadcast_in_dim3A_3 : vector<16xf32> to vector<1x16xf32>
      tpu.vector_store %arg5[%swap3A_71, %swap3A_72], %swap3A_75 {strides = array<i32>} : memref<128x128xf32, #tpu.memory_space<vmem>>, vector<1x16xf32>,
      %swap3A_76 = arith.index_cast %scan3A_46 : i32 to index
      %swap3A_77 = arith.constant 96 : index
      %swap3A_78 = tpu.vector_load %arg5[%swap3A_76, %swap3A_77] {strides = array<i32>} : memref<128x128xf32, #tpu.memory_space<vmem>>, vector<1x16xf32>,
      %swap3A_79 = vector.shape_cast %swap3A_78 : vector<1x16xf32> to vector<16xf32>
      %swap3A_80 = vector.shape_cast %broadcast_in_dim3A_3 : vector<16xf32> to vector<1x16xf32>
      tpu.vector_store %arg5[%swap3A_76, %swap3A_77], %swap3A_80 {strides = array<i32>} : memref<128x128xf32, #tpu.memory_space<vmem>>, vector<1x16xf32>,
      %swap3A_81 = arith.index_cast %scan3A_46 : i32 to index
      %swap3A_82 = arith.constant 112 : index
      %swap3A_83 = tpu.vector_load %arg5[%swap3A_81, %swap3A_82] {strides = array<i32>} : memref<128x128xf32, #tpu.memory_space<vmem>>, vector<1x16xf32>,
      %swap3A_84 = vector.shape_cast %swap3A_83 : vector<1x16xf32> to vector<16xf32>
      %swap3A_85 = vector.shape_cast %broadcast_in_dim3A_3 : vector<16xf32> to vector<1x16xf32>
      tpu.vector_store %arg5[%swap3A_81, %swap3A_82], %swap3A_85 {strides = array<i32>} : memref<128x128xf32, #tpu.memory_space<vmem>>, vector<1x16xf32>,
    }
    %scan3A_34 = arith.constant 128 : i32
    %barrier3A = arith.constant 0 : index
    tpu.barrier barrier_id(%barrier3A)
    %scan3A_35 = arith.constant 0 : i32
    %scan3A_36 = arith.constant 0 : i32
    %scan3A_37 = arith.constant 79 : i32
    %scan3A_38 = arith.addi %scan3A_36, %scan3A_37 : i32
    %scan3A_39 = arith.constant 1 : i32
    scf.for %scan3A_46 = %scan3A_36 to %scan3A_38 step %scan3A_39  : i32 {
      "tpu.region"() ({
        %run_scoped3A = tpu.sem_alloc : memref<!tpu.dma_semaphore, #tpu.memory_space<semaphore_mem>>
        %dma_start3A = arith.constant 0 : i32
        %dma_start3A_47 = tpu.memref_slice %arg2[%add3A, %scan3A_46, %dma_start3A] : memref<32x79x128xi32, #tpu.memory_space<hbm>> -> memref<1x1x128xi32, #tpu.memory_space<hbm>>
        %dma_start3A_48 = tpu.memref_squeeze %dma_start3A_47 : memref<1x1x128xi32, #tpu.memory_space<hbm>> -> memref<128xi32, #tpu.memory_space<hbm>>
        %dma_start3A_49 = arith.constant 0 : i32
        %dma_start3A_50 = tpu.memref_slice %arg2[%add3A, %scan3A_46, %dma_start3A_49] : memref<32x79x128xi32, #tpu.memory_space<hbm>> -> memref<1x1x128xi32, #tpu.memory_space<hbm>>
        %dma_start3A_51 = tpu.memref_squeeze %dma_start3A_50 : memref<1x1x128xi32, #tpu.memory_space<hbm>> -> memref<128xi32, #tpu.memory_space<hbm>>
        tpu.enqueue_dma source(%dma_start3A_51 : memref<128xi32, #tpu.memory_space<hbm>>) target(%arg4 : memref<128xi32, #tpu.memory_space<vmem>>) target_semaphore(%run_scoped3A : memref<!tpu.dma_semaphore, #tpu.memory_space<semaphore_mem>>)
        %dma_wait3A = arith.constant 0 : i32
        %dma_wait3A_52 = tpu.memref_slice %arg2[%add3A, %scan3A_46, %dma_wait3A] : memref<32x79x128xi32, #tpu.memory_space<hbm>> -> memref<1x1x128xi32, #tpu.memory_space<hbm>>
        %dma_wait3A_53 = tpu.memref_squeeze %dma_wait3A_52 : memref<1x1x128xi32, #tpu.memory_space<hbm>> -> memref<128xi32, #tpu.memory_space<hbm>>
        %dma_wait3A_54 = arith.constant 0 : i32
        %dma_wait3A_55 = tpu.memref_slice %arg2[%add3A, %scan3A_46, %dma_wait3A_54] : memref<32x79x128xi32, #tpu.memory_space<hbm>> -> memref<1x1x128xi32, #tpu.memory_space<hbm>>
        %dma_wait3A_56 = tpu.memref_squeeze %dma_wait3A_55 : memref<1x1x128xi32, #tpu.memory_space<hbm>> -> memref<128xi32, #tpu.memory_space<hbm>>
        tpu.wait_dma2 semaphore(%run_scoped3A : memref<!tpu.dma_semaphore, #tpu.memory_space<semaphore_mem>>) src(%dma_wait3A_56 : memref<128xi32, #tpu.memory_space<hbm>>) dst(%arg4 : memref<128xi32, #tpu.memory_space<vmem>>)
        tpu.yield
      }) : () -> ()
      "tpu.region"() ({
        %run_scoped3A = tpu.sem_alloc : memref<!tpu.dma_semaphore, #tpu.memory_space<semaphore_mem>>
        %dma_start3A = arith.constant 0 : i32
        %dma_start3A_47 = arith.constant 0 : i32
        %dma_start3A_48 = tpu.memref_slice %arg6[%dma_start3A, %dma_start3A_47] : memref<10240x128xf32, #tpu.memory_space<vmem_shared>> -> memref<10240x128xf32, #tpu.memory_space<vmem_shared>>
        tpu.enqueue_indirect_dma source(%arg5 : memref<128x128xf32, #tpu.memory_space<vmem>>) target(%dma_start3A_48 : memref<10240x128xf32, #tpu.memory_space<vmem_shared>>) offsets(%arg4 : memref<128xi32, #tpu.memory_space<vmem>>) semaphore(%run_scoped3A : memref<!tpu.dma_semaphore, #tpu.memory_space<semaphore_mem>>) {add = true}
        %dma_wait3A = arith.constant 0 : i32
        %dma_wait3A_49 = arith.constant 0 : i32
        %dma_wait3A_50 = tpu.memref_slice %arg6[%dma_wait3A, %dma_wait3A_49] : memref<10240x128xf32, #tpu.memory_space<vmem_shared>> -> memref<10240x128xf32, #tpu.memory_space<vmem_shared>>
        tpu.wait_indirect_dma semaphore(%run_scoped3A : memref<!tpu.dma_semaphore, #tpu.memory_space<semaphore_mem>>) src(%arg5 : memref<128x128xf32, #tpu.memory_space<vmem>>) dst(%dma_wait3A_50 : memref<10240x128xf32, #tpu.memory_space<vmem_shared>>)
        tpu.yield
      }) : () -> ()
    }
    %scan3A_40 = arith.constant 79 : i32
    %barrier3A_41 = arith.constant 0 : index
    tpu.barrier barrier_id(%barrier3A_41)
    %mul3A_42 = arith.constant 640 : i32
    %mul3A_43 = arith.muli %arg1, %mul3A_42 : i32
    %mul3A_44 = arith.constant 640 : i32
    %mul3A_45 = arith.muli %arg1, %mul3A_44 : i32
    "tpu.region"() ({
      %run_scoped3A = tpu.sem_alloc : memref<!tpu.dma_semaphore, #tpu.memory_space<semaphore_mem>>
      %dma_start3A = arith.constant 0 : i32
      %dma_start3A_46 = tpu.memref_slice %arg3[%arg0, %mul3A_45, %dma_start3A] : memref<2x10240x128xf32, #tpu.memory_space<hbm>> -> memref<1x640x128xf32, #tpu.memory_space<hbm>>
      %dma_start3A_47 = tpu.memref_squeeze %dma_start3A_46 : memref<1x640x128xf32, #tpu.memory_space<hbm>> -> memref<640x128xf32, #tpu.memory_space<hbm>>
      %dma_start3A_48 = arith.constant 0 : i32
      %dma_start3A_49 = tpu.memref_slice %arg6[%mul3A_43, %dma_start3A_48] : memref<10240x128xf32, #tpu.memory_space<vmem_shared>> -> memref<640x128xf32, #tpu.memory_space<vmem_shared>>
      tpu.enqueue_dma source(%dma_start3A_49 : memref<640x128xf32, #tpu.memory_space<vmem_shared>>) target(%dma_start3A_47 : memref<640x128xf32, #tpu.memory_space<hbm>>) target_semaphore(%run_scoped3A : memref<!tpu.dma_semaphore, #tpu.memory_space<semaphore_mem>>)
      %dma_wait3A = arith.constant 0 : i32
      %dma_wait3A_50 = tpu.memref_slice %arg3[%arg0, %mul3A_45, %dma_wait3A] : memref<2x10240x128xf32, #tpu.memory_space<hbm>> -> memref<1x640x128xf32, #tpu.memory_space<hbm>>
      %dma_wait3A_51 = tpu.memref_squeeze %dma_wait3A_50 : memref<1x640x128xf32, #tpu.memory_space<hbm>> -> memref<640x128xf32, #tpu.memory_space<hbm>>
      %dma_wait3A_52 = arith.constant 0 : i32
      %dma_wait3A_53 = tpu.memref_slice %arg6[%mul3A_43, %dma_wait3A_52] : memref<10240x128xf32, #tpu.memory_space<vmem_shared>> -> memref<640x128xf32, #tpu.memory_space<vmem_shared>>
      tpu.wait_dma2 semaphore(%run_scoped3A : memref<!tpu.dma_semaphore, #tpu.memory_space<semaphore_mem>>) src(%dma_wait3A_53 : memref<640x128xf32, #tpu.memory_space<vmem_shared>>) dst(%dma_wait3A_51 : memref<640x128xf32, #tpu.memory_space<hbm>>)
      tpu.yield
    }) : () -> ()
    return
  }
}

#map = affine_map<(d0, d1) -> (0, 0)>
#map1 = affine_map<(d0, d1) -> (0, 0, 0)>
module attributes {stable_mosaic.version = 14 : i64} {
  func.func @_sc_scatter(%arg0: i32, %arg1: i32, %arg2: memref<10000x128xf32, #tpu.memory_space<hbm>>, %arg3: memref<32x79x128xi32, #tpu.memory_space<hbm>>, %arg4: memref<32x79x128xi32, #tpu.memory_space<hbm>>, %arg5: memref<2x10240x128xf32, #tpu.memory_space<hbm>>, %arg6: memref<128xi32, #tpu.memory_space<vmem>>, %arg7: memref<128xi32, #tpu.memory_space<vmem>>, %arg8: memref<128x128xf32, #tpu.memory_space<vmem>>, %arg9: memref<10240x128xf32, #tpu.memory_space<vmem_shared>>, %arg10: memref<!tpu.dma_semaphore, #tpu.memory_space<semaphore_mem>>) attributes {dimension_semantics = [#tpu.dimension_semantics<core_parallel>, #tpu.dimension_semantics<subcore_parallel>], iteration_bounds = array<i64: 2, 16>, scalar_prefetch = 0 : i64, scratch_operands = 5 : i64, tpu.core_type = #tpu.core_type<sc_vector_subcore>, window_params = [{transform_indices = #map}, {transform_indices = #map1}, {transform_indices = #map1}, {transform_indices = #map1}]} {
    %mul3A = arith.constant 16 : i32
    %mul3A_0 = arith.muli %arg0, %mul3A : i32
    %add3A = arith.addi %mul3A_0, %arg1 : i32
    %broadcast_in_dim3A = arith.constant 0.000000e+00 : f32
    %broadcast_in_dim3A_1 = vector.broadcast %broadcast_in_dim3A : f32 to vector<16xf32>
    %scan3A = arith.constant 0 : i32
    %scan3A_2 = arith.constant 0 : i32
    %scan3A_3 = arith.constant 128 : i32
    %scan3A_4 = arith.addi %scan3A_2, %scan3A_3 : i32
    %scan3A_5 = arith.constant 1 : i32
    scf.for %scan3A_38 = %scan3A_2 to %scan3A_4 step %scan3A_5  : i32 {
      %swap3A = arith.index_cast %scan3A_38 : i32 to index
      %swap3A_39 = arith.constant 0 : index
      %swap3A_40 = tpu.vector_load %arg8[%swap3A, %swap3A_39] {strides = array<i32>} : memref<128x128xf32, #tpu.memory_space<vmem>>, vector<1x16xf32>,
      %swap3A_41 = vector.shape_cast %swap3A_40 : vector<1x16xf32> to vector<16xf32>
      %swap3A_42 = vector.shape_cast %broadcast_in_dim3A_1 : vector<16xf32> to vector<1x16xf32>
      tpu.vector_store %arg8[%swap3A, %swap3A_39], %swap3A_42 {strides = array<i32>} : memref<128x128xf32, #tpu.memory_space<vmem>>, vector<1x16xf32>,
      %swap3A_43 = arith.index_cast %scan3A_38 : i32 to index
      %swap3A_44 = arith.constant 16 : index
      %swap3A_45 = tpu.vector_load %arg8[%swap3A_43, %swap3A_44] {strides = array<i32>} : memref<128x128xf32, #tpu.memory_space<vmem>>, vector<1x16xf32>,
      %swap3A_46 = vector.shape_cast %swap3A_45 : vector<1x16xf32> to vector<16xf32>
      %swap3A_47 = vector.shape_cast %broadcast_in_dim3A_1 : vector<16xf32> to vector<1x16xf32>
      tpu.vector_store %arg8[%swap3A_43, %swap3A_44], %swap3A_47 {strides = array<i32>} : memref<128x128xf32, #tpu.memory_space<vmem>>, vector<1x16xf32>,
      %swap3A_48 = arith.index_cast %scan3A_38 : i32 to index
      %swap3A_49 = arith.constant 32 : index
      %swap3A_50 = tpu.vector_load %arg8[%swap3A_48, %swap3A_49] {strides = array<i32>} : memref<128x128xf32, #tpu.memory_space<vmem>>, vector<1x16xf32>,
      %swap3A_51 = vector.shape_cast %swap3A_50 : vector<1x16xf32> to vector<16xf32>
      %swap3A_52 = vector.shape_cast %broadcast_in_dim3A_1 : vector<16xf32> to vector<1x16xf32>
      tpu.vector_store %arg8[%swap3A_48, %swap3A_49], %swap3A_52 {strides = array<i32>} : memref<128x128xf32, #tpu.memory_space<vmem>>, vector<1x16xf32>,
      %swap3A_53 = arith.index_cast %scan3A_38 : i32 to index
      %swap3A_54 = arith.constant 48 : index
      %swap3A_55 = tpu.vector_load %arg8[%swap3A_53, %swap3A_54] {strides = array<i32>} : memref<128x128xf32, #tpu.memory_space<vmem>>, vector<1x16xf32>,
      %swap3A_56 = vector.shape_cast %swap3A_55 : vector<1x16xf32> to vector<16xf32>
      %swap3A_57 = vector.shape_cast %broadcast_in_dim3A_1 : vector<16xf32> to vector<1x16xf32>
      tpu.vector_store %arg8[%swap3A_53, %swap3A_54], %swap3A_57 {strides = array<i32>} : memref<128x128xf32, #tpu.memory_space<vmem>>, vector<1x16xf32>,
      %swap3A_58 = arith.index_cast %scan3A_38 : i32 to index
      %swap3A_59 = arith.constant 64 : index
      %swap3A_60 = tpu.vector_load %arg8[%swap3A_58, %swap3A_59] {strides = array<i32>} : memref<128x128xf32, #tpu.memory_space<vmem>>, vector<1x16xf32>,
      %swap3A_61 = vector.shape_cast %swap3A_60 : vector<1x16xf32> to vector<16xf32>
      %swap3A_62 = vector.shape_cast %broadcast_in_dim3A_1 : vector<16xf32> to vector<1x16xf32>
      tpu.vector_store %arg8[%swap3A_58, %swap3A_59], %swap3A_62 {strides = array<i32>} : memref<128x128xf32, #tpu.memory_space<vmem>>, vector<1x16xf32>,
      %swap3A_63 = arith.index_cast %scan3A_38 : i32 to index
      %swap3A_64 = arith.constant 80 : index
      %swap3A_65 = tpu.vector_load %arg8[%swap3A_63, %swap3A_64] {strides = array<i32>} : memref<128x128xf32, #tpu.memory_space<vmem>>, vector<1x16xf32>,
      %swap3A_66 = vector.shape_cast %swap3A_65 : vector<1x16xf32> to vector<16xf32>
      %swap3A_67 = vector.shape_cast %broadcast_in_dim3A_1 : vector<16xf32> to vector<1x16xf32>
      tpu.vector_store %arg8[%swap3A_63, %swap3A_64], %swap3A_67 {strides = array<i32>} : memref<128x128xf32, #tpu.memory_space<vmem>>, vector<1x16xf32>,
      %swap3A_68 = arith.index_cast %scan3A_38 : i32 to index
      %swap3A_69 = arith.constant 96 : index
      %swap3A_70 = tpu.vector_load %arg8[%swap3A_68, %swap3A_69] {strides = array<i32>} : memref<128x128xf32, #tpu.memory_space<vmem>>, vector<1x16xf32>,
      %swap3A_71 = vector.shape_cast %swap3A_70 : vector<1x16xf32> to vector<16xf32>
      %swap3A_72 = vector.shape_cast %broadcast_in_dim3A_1 : vector<16xf32> to vector<1x16xf32>
      tpu.vector_store %arg8[%swap3A_68, %swap3A_69], %swap3A_72 {strides = array<i32>} : memref<128x128xf32, #tpu.memory_space<vmem>>, vector<1x16xf32>,
      %swap3A_73 = arith.index_cast %scan3A_38 : i32 to index
      %swap3A_74 = arith.constant 112 : index
      %swap3A_75 = tpu.vector_load %arg8[%swap3A_73, %swap3A_74] {strides = array<i32>} : memref<128x128xf32, #tpu.memory_space<vmem>>, vector<1x16xf32>,
      %swap3A_76 = vector.shape_cast %swap3A_75 : vector<1x16xf32> to vector<16xf32>
      %swap3A_77 = vector.shape_cast %broadcast_in_dim3A_1 : vector<16xf32> to vector<1x16xf32>
      tpu.vector_store %arg8[%swap3A_73, %swap3A_74], %swap3A_77 {strides = array<i32>} : memref<128x128xf32, #tpu.memory_space<vmem>>, vector<1x16xf32>,
    }
    %scan3A_6 = arith.constant 128 : i32
    %mul3A_7 = arith.constant 640 : i32
    %mul3A_8 = arith.muli %arg1, %mul3A_7 : i32
    %add3A_9 = arith.constant 0 : i32
    %add3A_10 = arith.addi %mul3A_8, %add3A_9 : i32
    "tpu.region"() ({
      %run_scoped3A = tpu.sem_alloc : memref<!tpu.dma_semaphore, #tpu.memory_space<semaphore_mem>>
      %dma_start3A = arith.constant 0 : i32
      %dma_start3A_38 = tpu.memref_slice %arg9[%add3A_10, %dma_start3A] : memref<10240x128xf32, #tpu.memory_space<vmem_shared>> -> memref<128x128xf32, #tpu.memory_space<vmem_shared>>
      %dma_start3A_39 = arith.constant 0 : i32
      %dma_start3A_40 = tpu.memref_slice %arg9[%add3A_10, %dma_start3A_39] : memref<10240x128xf32, #tpu.memory_space<vmem_shared>> -> memref<128x128xf32, #tpu.memory_space<vmem_shared>>
      tpu.enqueue_dma source(%arg8 : memref<128x128xf32, #tpu.memory_space<vmem>>) target(%dma_start3A_40 : memref<128x128xf32, #tpu.memory_space<vmem_shared>>) target_semaphore(%run_scoped3A : memref<!tpu.dma_semaphore, #tpu.memory_space<semaphore_mem>>)
      %dma_wait3A = arith.constant 0 : i32
      %dma_wait3A_41 = tpu.memref_slice %arg9[%add3A_10, %dma_wait3A] : memref<10240x128xf32, #tpu.memory_space<vmem_shared>> -> memref<128x128xf32, #tpu.memory_space<vmem_shared>>
      %dma_wait3A_42 = arith.constant 0 : i32
      %dma_wait3A_43 = tpu.memref_slice %arg9[%add3A_10, %dma_wait3A_42] : memref<10240x128xf32, #tpu.memory_space<vmem_shared>> -> memref<128x128xf32, #tpu.memory_space<vmem_shared>>
      tpu.wait_dma2 semaphore(%run_scoped3A : memref<!tpu.dma_semaphore, #tpu.memory_space<semaphore_mem>>) src(%arg8 : memref<128x128xf32, #tpu.memory_space<vmem>>) dst(%dma_wait3A_43 : memref<128x128xf32, #tpu.memory_space<vmem_shared>>)
      tpu.yield
    }) : () -> ()
    %mul3A_11 = arith.constant 640 : i32
    %mul3A_12 = arith.muli %arg1, %mul3A_11 : i32
    %add3A_13 = arith.constant 128 : i32
    %add3A_14 = arith.addi %mul3A_12, %add3A_13 : i32
    "tpu.region"() ({
      %run_scoped3A = tpu.sem_alloc : memref<!tpu.dma_semaphore, #tpu.memory_space<semaphore_mem>>
      %dma_start3A = arith.constant 0 : i32
      %dma_start3A_38 = tpu.memref_slice %arg9[%add3A_14, %dma_start3A] : memref<10240x128xf32, #tpu.memory_space<vmem_shared>> -> memref<128x128xf32, #tpu.memory_space<vmem_shared>>
      %dma_start3A_39 = arith.constant 0 : i32
      %dma_start3A_40 = tpu.memref_slice %arg9[%add3A_14, %dma_start3A_39] : memref<10240x128xf32, #tpu.memory_space<vmem_shared>> -> memref<128x128xf32, #tpu.memory_space<vmem_shared>>
      tpu.enqueue_dma source(%arg8 : memref<128x128xf32, #tpu.memory_space<vmem>>) target(%dma_start3A_40 : memref<128x128xf32, #tpu.memory_space<vmem_shared>>) target_semaphore(%run_scoped3A : memref<!tpu.dma_semaphore, #tpu.memory_space<semaphore_mem>>)
      %dma_wait3A = arith.constant 0 : i32
      %dma_wait3A_41 = tpu.memref_slice %arg9[%add3A_14, %dma_wait3A] : memref<10240x128xf32, #tpu.memory_space<vmem_shared>> -> memref<128x128xf32, #tpu.memory_space<vmem_shared>>
      %dma_wait3A_42 = arith.constant 0 : i32
      %dma_wait3A_43 = tpu.memref_slice %arg9[%add3A_14, %dma_wait3A_42] : memref<10240x128xf32, #tpu.memory_space<vmem_shared>> -> memref<128x128xf32, #tpu.memory_space<vmem_shared>>
      tpu.wait_dma2 semaphore(%run_scoped3A : memref<!tpu.dma_semaphore, #tpu.memory_space<semaphore_mem>>) src(%arg8 : memref<128x128xf32, #tpu.memory_space<vmem>>) dst(%dma_wait3A_43 : memref<128x128xf32, #tpu.memory_space<vmem_shared>>)
      tpu.yield
    }) : () -> ()
    %mul3A_15 = arith.constant 640 : i32
    %mul3A_16 = arith.muli %arg1, %mul3A_15 : i32
    %add3A_17 = arith.constant 256 : i32
    %add3A_18 = arith.addi %mul3A_16, %add3A_17 : i32
    "tpu.region"() ({
      %run_scoped3A = tpu.sem_alloc : memref<!tpu.dma_semaphore, #tpu.memory_space<semaphore_mem>>
      %dma_start3A = arith.constant 0 : i32
      %dma_start3A_38 = tpu.memref_slice %arg9[%add3A_18, %dma_start3A] : memref<10240x128xf32, #tpu.memory_space<vmem_shared>> -> memref<128x128xf32, #tpu.memory_space<vmem_shared>>
      %dma_start3A_39 = arith.constant 0 : i32
      %dma_start3A_40 = tpu.memref_slice %arg9[%add3A_18, %dma_start3A_39] : memref<10240x128xf32, #tpu.memory_space<vmem_shared>> -> memref<128x128xf32, #tpu.memory_space<vmem_shared>>
      tpu.enqueue_dma source(%arg8 : memref<128x128xf32, #tpu.memory_space<vmem>>) target(%dma_start3A_40 : memref<128x128xf32, #tpu.memory_space<vmem_shared>>) target_semaphore(%run_scoped3A : memref<!tpu.dma_semaphore, #tpu.memory_space<semaphore_mem>>)
      %dma_wait3A = arith.constant 0 : i32
      %dma_wait3A_41 = tpu.memref_slice %arg9[%add3A_18, %dma_wait3A] : memref<10240x128xf32, #tpu.memory_space<vmem_shared>> -> memref<128x128xf32, #tpu.memory_space<vmem_shared>>
      %dma_wait3A_42 = arith.constant 0 : i32
      %dma_wait3A_43 = tpu.memref_slice %arg9[%add3A_18, %dma_wait3A_42] : memref<10240x128xf32, #tpu.memory_space<vmem_shared>> -> memref<128x128xf32, #tpu.memory_space<vmem_shared>>
      tpu.wait_dma2 semaphore(%run_scoped3A : memref<!tpu.dma_semaphore, #tpu.memory_space<semaphore_mem>>) src(%arg8 : memref<128x128xf32, #tpu.memory_space<vmem>>) dst(%dma_wait3A_43 : memref<128x128xf32, #tpu.memory_space<vmem_shared>>)
      tpu.yield
    }) : () -> ()
    %mul3A_19 = arith.constant 640 : i32
    %mul3A_20 = arith.muli %arg1, %mul3A_19 : i32
    %add3A_21 = arith.constant 384 : i32
    %add3A_22 = arith.addi %mul3A_20, %add3A_21 : i32
    "tpu.region"() ({
      %run_scoped3A = tpu.sem_alloc : memref<!tpu.dma_semaphore, #tpu.memory_space<semaphore_mem>>
      %dma_start3A = arith.constant 0 : i32
      %dma_start3A_38 = tpu.memref_slice %arg9[%add3A_22, %dma_start3A] : memref<10240x128xf32, #tpu.memory_space<vmem_shared>> -> memref<128x128xf32, #tpu.memory_space<vmem_shared>>
      %dma_start3A_39 = arith.constant 0 : i32
      %dma_start3A_40 = tpu.memref_slice %arg9[%add3A_22, %dma_start3A_39] : memref<10240x128xf32, #tpu.memory_space<vmem_shared>> -> memref<128x128xf32, #tpu.memory_space<vmem_shared>>
      tpu.enqueue_dma source(%arg8 : memref<128x128xf32, #tpu.memory_space<vmem>>) target(%dma_start3A_40 : memref<128x128xf32, #tpu.memory_space<vmem_shared>>) target_semaphore(%run_scoped3A : memref<!tpu.dma_semaphore, #tpu.memory_space<semaphore_mem>>)
      %dma_wait3A = arith.constant 0 : i32
      %dma_wait3A_41 = tpu.memref_slice %arg9[%add3A_22, %dma_wait3A] : memref<10240x128xf32, #tpu.memory_space<vmem_shared>> -> memref<128x128xf32, #tpu.memory_space<vmem_shared>>
      %dma_wait3A_42 = arith.constant 0 : i32
      %dma_wait3A_43 = tpu.memref_slice %arg9[%add3A_22, %dma_wait3A_42] : memref<10240x128xf32, #tpu.memory_space<vmem_shared>> -> memref<128x128xf32, #tpu.memory_space<vmem_shared>>
      tpu.wait_dma2 semaphore(%run_scoped3A : memref<!tpu.dma_semaphore, #tpu.memory_space<semaphore_mem>>) src(%arg8 : memref<128x128xf32, #tpu.memory_space<vmem>>) dst(%dma_wait3A_43 : memref<128x128xf32, #tpu.memory_space<vmem_shared>>)
      tpu.yield
    }) : () -> ()
    %mul3A_23 = arith.constant 640 : i32
    %mul3A_24 = arith.muli %arg1, %mul3A_23 : i32
    %add3A_25 = arith.constant 512 : i32
    %add3A_26 = arith.addi %mul3A_24, %add3A_25 : i32
    "tpu.region"() ({
      %run_scoped3A = tpu.sem_alloc : memref<!tpu.dma_semaphore, #tpu.memory_space<semaphore_mem>>
      %dma_start3A = arith.constant 0 : i32
      %dma_start3A_38 = tpu.memref_slice %arg9[%add3A_26, %dma_start3A] : memref<10240x128xf32, #tpu.memory_space<vmem_shared>> -> memref<128x128xf32, #tpu.memory_space<vmem_shared>>
      %dma_start3A_39 = arith.constant 0 : i32
      %dma_start3A_40 = tpu.memref_slice %arg9[%add3A_26, %dma_start3A_39] : memref<10240x128xf32, #tpu.memory_space<vmem_shared>> -> memref<128x128xf32, #tpu.memory_space<vmem_shared>>
      tpu.enqueue_dma source(%arg8 : memref<128x128xf32, #tpu.memory_space<vmem>>) target(%dma_start3A_40 : memref<128x128xf32, #tpu.memory_space<vmem_shared>>) target_semaphore(%run_scoped3A : memref<!tpu.dma_semaphore, #tpu.memory_space<semaphore_mem>>)
      %dma_wait3A = arith.constant 0 : i32
      %dma_wait3A_41 = tpu.memref_slice %arg9[%add3A_26, %dma_wait3A] : memref<10240x128xf32, #tpu.memory_space<vmem_shared>> -> memref<128x128xf32, #tpu.memory_space<vmem_shared>>
      %dma_wait3A_42 = arith.constant 0 : i32
      %dma_wait3A_43 = tpu.memref_slice %arg9[%add3A_26, %dma_wait3A_42] : memref<10240x128xf32, #tpu.memory_space<vmem_shared>> -> memref<128x128xf32, #tpu.memory_space<vmem_shared>>
      tpu.wait_dma2 semaphore(%run_scoped3A : memref<!tpu.dma_semaphore, #tpu.memory_space<semaphore_mem>>) src(%arg8 : memref<128x128xf32, #tpu.memory_space<vmem>>) dst(%dma_wait3A_43 : memref<128x128xf32, #tpu.memory_space<vmem_shared>>)
      tpu.yield
    }) : () -> ()
    %barrier3A = arith.constant 0 : index
    tpu.barrier barrier_id(%barrier3A)
    %scan3A_27 = arith.constant 0 : i32
    %scan3A_28 = arith.constant 0 : i32
    %scan3A_29 = arith.constant 79 : i32
    %scan3A_30 = arith.addi %scan3A_28, %scan3A_29 : i32
    %scan3A_31 = arith.constant 1 : i32
    scf.for %scan3A_38 = %scan3A_28 to %scan3A_30 step %scan3A_31  : i32 {
      "tpu.region"() ({
        %run_scoped3A = tpu.sem_alloc : memref<!tpu.dma_semaphore, #tpu.memory_space<semaphore_mem>>
        %dma_start3A_43 = arith.constant 0 : i32
        %dma_start3A_44 = tpu.memref_slice %arg3[%add3A, %scan3A_38, %dma_start3A_43] : memref<32x79x128xi32, #tpu.memory_space<hbm>> -> memref<1x1x128xi32, #tpu.memory_space<hbm>>
        %dma_start3A_45 = tpu.memref_squeeze %dma_start3A_44 : memref<1x1x128xi32, #tpu.memory_space<hbm>> -> memref<128xi32, #tpu.memory_space<hbm>>
        %dma_start3A_46 = arith.constant 0 : i32
        %dma_start3A_47 = tpu.memref_slice %arg3[%add3A, %scan3A_38, %dma_start3A_46] : memref<32x79x128xi32, #tpu.memory_space<hbm>> -> memref<1x1x128xi32, #tpu.memory_space<hbm>>
        %dma_start3A_48 = tpu.memref_squeeze %dma_start3A_47 : memref<1x1x128xi32, #tpu.memory_space<hbm>> -> memref<128xi32, #tpu.memory_space<hbm>>
        tpu.enqueue_dma source(%dma_start3A_48 : memref<128xi32, #tpu.memory_space<hbm>>) target(%arg6 : memref<128xi32, #tpu.memory_space<vmem>>) target_semaphore(%run_scoped3A : memref<!tpu.dma_semaphore, #tpu.memory_space<semaphore_mem>>)
        %dma_wait3A_49 = arith.constant 0 : i32
        %dma_wait3A_50 = tpu.memref_slice %arg3[%add3A, %scan3A_38, %dma_wait3A_49] : memref<32x79x128xi32, #tpu.memory_space<hbm>> -> memref<1x1x128xi32, #tpu.memory_space<hbm>>
        %dma_wait3A_51 = tpu.memref_squeeze %dma_wait3A_50 : memref<1x1x128xi32, #tpu.memory_space<hbm>> -> memref<128xi32, #tpu.memory_space<hbm>>
        %dma_wait3A_52 = arith.constant 0 : i32
        %dma_wait3A_53 = tpu.memref_slice %arg3[%add3A, %scan3A_38, %dma_wait3A_52] : memref<32x79x128xi32, #tpu.memory_space<hbm>> -> memref<1x1x128xi32, #tpu.memory_space<hbm>>
        %dma_wait3A_54 = tpu.memref_squeeze %dma_wait3A_53 : memref<1x1x128xi32, #tpu.memory_space<hbm>> -> memref<128xi32, #tpu.memory_space<hbm>>
        tpu.wait_dma2 semaphore(%run_scoped3A : memref<!tpu.dma_semaphore, #tpu.memory_space<semaphore_mem>>) src(%dma_wait3A_54 : memref<128xi32, #tpu.memory_space<hbm>>) dst(%arg6 : memref<128xi32, #tpu.memory_space<vmem>>)
        tpu.yield
      }) : () -> ()
      "tpu.region"() ({
        %run_scoped3A = tpu.sem_alloc : memref<!tpu.dma_semaphore, #tpu.memory_space<semaphore_mem>>
        %dma_start3A_43 = arith.constant 0 : i32
        %dma_start3A_44 = tpu.memref_slice %arg4[%add3A, %scan3A_38, %dma_start3A_43] : memref<32x79x128xi32, #tpu.memory_space<hbm>> -> memref<1x1x128xi32, #tpu.memory_space<hbm>>
        %dma_start3A_45 = tpu.memref_squeeze %dma_start3A_44 : memref<1x1x128xi32, #tpu.memory_space<hbm>> -> memref<128xi32, #tpu.memory_space<hbm>>
        %dma_start3A_46 = arith.constant 0 : i32
        %dma_start3A_47 = tpu.memref_slice %arg4[%add3A, %scan3A_38, %dma_start3A_46] : memref<32x79x128xi32, #tpu.memory_space<hbm>> -> memref<1x1x128xi32, #tpu.memory_space<hbm>>
        %dma_start3A_48 = tpu.memref_squeeze %dma_start3A_47 : memref<1x1x128xi32, #tpu.memory_space<hbm>> -> memref<128xi32, #tpu.memory_space<hbm>>
        tpu.enqueue_dma source(%dma_start3A_48 : memref<128xi32, #tpu.memory_space<hbm>>) target(%arg7 : memref<128xi32, #tpu.memory_space<vmem>>) target_semaphore(%run_scoped3A : memref<!tpu.dma_semaphore, #tpu.memory_space<semaphore_mem>>)
        %dma_wait3A_49 = arith.constant 0 : i32
        %dma_wait3A_50 = tpu.memref_slice %arg4[%add3A, %scan3A_38, %dma_wait3A_49] : memref<32x79x128xi32, #tpu.memory_space<hbm>> -> memref<1x1x128xi32, #tpu.memory_space<hbm>>
        %dma_wait3A_51 = tpu.memref_squeeze %dma_wait3A_50 : memref<1x1x128xi32, #tpu.memory_space<hbm>> -> memref<128xi32, #tpu.memory_space<hbm>>
        %dma_wait3A_52 = arith.constant 0 : i32
        %dma_wait3A_53 = tpu.memref_slice %arg4[%add3A, %scan3A_38, %dma_wait3A_52] : memref<32x79x128xi32, #tpu.memory_space<hbm>> -> memref<1x1x128xi32, #tpu.memory_space<hbm>>
        %dma_wait3A_54 = tpu.memref_squeeze %dma_wait3A_53 : memref<1x1x128xi32, #tpu.memory_space<hbm>> -> memref<128xi32, #tpu.memory_space<hbm>>
        tpu.wait_dma2 semaphore(%run_scoped3A : memref<!tpu.dma_semaphore, #tpu.memory_space<semaphore_mem>>) src(%dma_wait3A_54 : memref<128xi32, #tpu.memory_space<hbm>>) dst(%arg7 : memref<128xi32, #tpu.memory_space<vmem>>)
        tpu.yield
      }) : () -> ()
      %dma_start3A = arith.constant 0 : i32
      %dma_start3A_39 = arith.constant 0 : i32
      %dma_start3A_40 = tpu.memref_slice %arg2[%dma_start3A, %dma_start3A_39] : memref<10000x128xf32, #tpu.memory_space<hbm>> -> memref<10000x128xf32, #tpu.memory_space<hbm>>
      tpu.enqueue_indirect_dma source(%dma_start3A_40 : memref<10000x128xf32, #tpu.memory_space<hbm>>) target(%arg8 : memref<128x128xf32, #tpu.memory_space<vmem>>) offsets(%arg6 : memref<128xi32, #tpu.memory_space<vmem>>) semaphore(%arg10 : memref<!tpu.dma_semaphore, #tpu.memory_space<semaphore_mem>>)
      %dma_wait3A = arith.constant 0 : i32
      %dma_wait3A_41 = arith.constant 0 : i32
      %dma_wait3A_42 = tpu.memref_slice %arg2[%dma_wait3A, %dma_wait3A_41] : memref<10000x128xf32, #tpu.memory_space<hbm>> -> memref<10000x128xf32, #tpu.memory_space<hbm>>
      tpu.wait_indirect_dma semaphore(%arg10 : memref<!tpu.dma_semaphore, #tpu.memory_space<semaphore_mem>>) src(%dma_wait3A_42 : memref<10000x128xf32, #tpu.memory_space<hbm>>) dst(%arg8 : memref<128x128xf32, #tpu.memory_space<vmem>>)
      "tpu.region"() ({
        %run_scoped3A = tpu.sem_alloc : memref<!tpu.dma_semaphore, #tpu.memory_space<semaphore_mem>>
        %dma_start3A_43 = arith.constant 0 : i32
        %dma_start3A_44 = arith.constant 0 : i32
        %dma_start3A_45 = tpu.memref_slice %arg9[%dma_start3A_43, %dma_start3A_44] : memref<10240x128xf32, #tpu.memory_space<vmem_shared>> -> memref<10240x128xf32, #tpu.memory_space<vmem_shared>>
        tpu.enqueue_indirect_dma source(%arg8 : memref<128x128xf32, #tpu.memory_space<vmem>>) target(%dma_start3A_45 : memref<10240x128xf32, #tpu.memory_space<vmem_shared>>) offsets(%arg7 : memref<128xi32, #tpu.memory_space<vmem>>) semaphore(%run_scoped3A : memref<!tpu.dma_semaphore, #tpu.memory_space<semaphore_mem>>) {add = true}
        %dma_wait3A_46 = arith.constant 0 : i32
        %dma_wait3A_47 = arith.constant 0 : i32
        %dma_wait3A_48 = tpu.memref_slice %arg9[%dma_wait3A_46, %dma_wait3A_47] : memref<10240x128xf32, #tpu.memory_space<vmem_shared>> -> memref<10240x128xf32, #tpu.memory_space<vmem_shared>>
        tpu.wait_indirect_dma semaphore(%run_scoped3A : memref<!tpu.dma_semaphore, #tpu.memory_space<semaphore_mem>>) src(%arg8 : memref<128x128xf32, #tpu.memory_space<vmem>>) dst(%dma_wait3A_48 : memref<10240x128xf32, #tpu.memory_space<vmem_shared>>)
        tpu.yield
      }) : () -> ()
    }
    %scan3A_32 = arith.constant 79 : i32
    %barrier3A_33 = arith.constant 0 : index
    tpu.barrier barrier_id(%barrier3A_33)
    %mul3A_34 = arith.constant 640 : i32
    %mul3A_35 = arith.muli %arg1, %mul3A_34 : i32
    %mul3A_36 = arith.constant 640 : i32
    %mul3A_37 = arith.muli %arg1, %mul3A_36 : i32
    "tpu.region"() ({
      %run_scoped3A = tpu.sem_alloc : memref<!tpu.dma_semaphore, #tpu.memory_space<semaphore_mem>>
      %dma_start3A = arith.constant 0 : i32
      %dma_start3A_38 = tpu.memref_slice %arg5[%arg0, %mul3A_37, %dma_start3A] : memref<2x10240x128xf32, #tpu.memory_space<hbm>> -> memref<1x640x128xf32, #tpu.memory_space<hbm>>
      %dma_start3A_39 = tpu.memref_squeeze %dma_start3A_38 : memref<1x640x128xf32, #tpu.memory_space<hbm>> -> memref<640x128xf32, #tpu.memory_space<hbm>>
      %dma_start3A_40 = arith.constant 0 : i32
      %dma_start3A_41 = tpu.memref_slice %arg9[%mul3A_35, %dma_start3A_40] : memref<10240x128xf32, #tpu.memory_space<vmem_shared>> -> memref<640x128xf32, #tpu.memory_space<vmem_shared>>
      tpu.enqueue_dma source(%dma_start3A_41 : memref<640x128xf32, #tpu.memory_space<vmem_shared>>) target(%dma_start3A_39 : memref<640x128xf32, #tpu.memory_space<hbm>>) target_semaphore(%run_scoped3A : memref<!tpu.dma_semaphore, #tpu.memory_space<semaphore_mem>>)
      %dma_wait3A = arith.constant 0 : i32
      %dma_wait3A_42 = tpu.memref_slice %arg5[%arg0, %mul3A_37, %dma_wait3A] : memref<2x10240x128xf32, #tpu.memory_space<hbm>> -> memref<1x640x128xf32, #tpu.memory_space<hbm>>
      %dma_wait3A_43 = tpu.memref_squeeze %dma_wait3A_42 : memref<1x640x128xf32, #tpu.memory_space<hbm>> -> memref<640x128xf32, #tpu.memory_space<hbm>>
      %dma_wait3A_44 = arith.constant 0 : i32
      %dma_wait3A_45 = tpu.memref_slice %arg9[%mul3A_35, %dma_wait3A_44] : memref<10240x128xf32, #tpu.memory_space<vmem_shared>> -> memref<640x128xf32, #tpu.memory_space<vmem_shared>>
      tpu.wait_dma2 semaphore(%run_scoped3A : memref<!tpu.dma_semaphore, #tpu.memory_space<semaphore_mem>>) src(%dma_wait3A_45 : memref<640x128xf32, #tpu.memory_space<vmem_shared>>) dst(%dma_wait3A_43 : memref<640x128xf32, #tpu.memory_space<hbm>>)
      tpu.yield
    }) : () -> ()
    return
  }
}

#map = affine_map<(d0, d1) -> (0, 0)>
#map1 = affine_map<(d0, d1) -> (0, 0, 0)>
module attributes {stable_mosaic.version = 14 : i64} {
  func.func @_sc_scatter(%arg0: i32, %arg1: i32, %arg2: memref<10000x128xf32, #tpu.memory_space<hbm>>, %arg3: memref<32x79x128xi32, #tpu.memory_space<hbm>>, %arg4: memref<32x79x128xi32, #tpu.memory_space<hbm>>, %arg5: memref<2x10240x128xf32, #tpu.memory_space<hbm>>, %arg6: memref<128xi32, #tpu.memory_space<vmem>>, %arg7: memref<128xi32, #tpu.memory_space<vmem>>, %arg8: memref<128x128xf32, #tpu.memory_space<vmem>>, %arg9: memref<10240x128xf32, #tpu.memory_space<vmem_shared>>, %arg10: memref<!tpu.dma_semaphore, #tpu.memory_space<semaphore_mem>>) attributes {dimension_semantics = [#tpu.dimension_semantics<core_parallel>, #tpu.dimension_semantics<subcore_parallel>], iteration_bounds = array<i64: 2, 16>, scalar_prefetch = 0 : i64, scratch_operands = 5 : i64, tpu.core_type = #tpu.core_type<sc_vector_subcore>, window_params = [{transform_indices = #map}, {transform_indices = #map1}, {transform_indices = #map1}, {transform_indices = #map1}]} {
    %mul3A = arith.constant 16 : i32
    %mul3A_0 = arith.muli %arg0, %mul3A : i32
    %add3A = arith.addi %mul3A_0, %arg1 : i32
    %broadcast_in_dim3A = arith.constant 0.000000e+00 : f32
    %broadcast_in_dim3A_1 = vector.broadcast %broadcast_in_dim3A : f32 to vector<16xf32>
    %scan3A = arith.constant 0 : i32
    %scan3A_2 = arith.constant 0 : i32
    %scan3A_3 = arith.constant 128 : i32
    %scan3A_4 = arith.addi %scan3A_2, %scan3A_3 : i32
    %scan3A_5 = arith.constant 1 : i32
    scf.for %scan3A_38 = %scan3A_2 to %scan3A_4 step %scan3A_5  : i32 {
      %swap3A = arith.index_cast %scan3A_38 : i32 to index
      %swap3A_39 = arith.constant 0 : index
      %swap3A_40 = tpu.vector_load %arg8[%swap3A, %swap3A_39] {strides = array<i32>} : memref<128x128xf32, #tpu.memory_space<vmem>>, vector<1x16xf32>,
      %swap3A_41 = vector.shape_cast %swap3A_40 : vector<1x16xf32> to vector<16xf32>
      %swap3A_42 = vector.shape_cast %broadcast_in_dim3A_1 : vector<16xf32> to vector<1x16xf32>
      tpu.vector_store %arg8[%swap3A, %swap3A_39], %swap3A_42 {strides = array<i32>} : memref<128x128xf32, #tpu.memory_space<vmem>>, vector<1x16xf32>,
      %swap3A_43 = arith.index_cast %scan3A_38 : i32 to index
      %swap3A_44 = arith.constant 16 : index
      %swap3A_45 = tpu.vector_load %arg8[%swap3A_43, %swap3A_44] {strides = array<i32>} : memref<128x128xf32, #tpu.memory_space<vmem>>, vector<1x16xf32>,
      %swap3A_46 = vector.shape_cast %swap3A_45 : vector<1x16xf32> to vector<16xf32>
      %swap3A_47 = vector.shape_cast %broadcast_in_dim3A_1 : vector<16xf32> to vector<1x16xf32>
      tpu.vector_store %arg8[%swap3A_43, %swap3A_44], %swap3A_47 {strides = array<i32>} : memref<128x128xf32, #tpu.memory_space<vmem>>, vector<1x16xf32>,
      %swap3A_48 = arith.index_cast %scan3A_38 : i32 to index
      %swap3A_49 = arith.constant 32 : index
      %swap3A_50 = tpu.vector_load %arg8[%swap3A_48, %swap3A_49] {strides = array<i32>} : memref<128x128xf32, #tpu.memory_space<vmem>>, vector<1x16xf32>,
      %swap3A_51 = vector.shape_cast %swap3A_50 : vector<1x16xf32> to vector<16xf32>
      %swap3A_52 = vector.shape_cast %broadcast_in_dim3A_1 : vector<16xf32> to vector<1x16xf32>
      tpu.vector_store %arg8[%swap3A_48, %swap3A_49], %swap3A_52 {strides = array<i32>} : memref<128x128xf32, #tpu.memory_space<vmem>>, vector<1x16xf32>,
      %swap3A_53 = arith.index_cast %scan3A_38 : i32 to index
      %swap3A_54 = arith.constant 48 : index
      %swap3A_55 = tpu.vector_load %arg8[%swap3A_53, %swap3A_54] {strides = array<i32>} : memref<128x128xf32, #tpu.memory_space<vmem>>, vector<1x16xf32>,
      %swap3A_56 = vector.shape_cast %swap3A_55 : vector<1x16xf32> to vector<16xf32>
      %swap3A_57 = vector.shape_cast %broadcast_in_dim3A_1 : vector<16xf32> to vector<1x16xf32>
      tpu.vector_store %arg8[%swap3A_53, %swap3A_54], %swap3A_57 {strides = array<i32>} : memref<128x128xf32, #tpu.memory_space<vmem>>, vector<1x16xf32>,
      %swap3A_58 = arith.index_cast %scan3A_38 : i32 to index
      %swap3A_59 = arith.constant 64 : index
      %swap3A_60 = tpu.vector_load %arg8[%swap3A_58, %swap3A_59] {strides = array<i32>} : memref<128x128xf32, #tpu.memory_space<vmem>>, vector<1x16xf32>,
      %swap3A_61 = vector.shape_cast %swap3A_60 : vector<1x16xf32> to vector<16xf32>
      %swap3A_62 = vector.shape_cast %broadcast_in_dim3A_1 : vector<16xf32> to vector<1x16xf32>
      tpu.vector_store %arg8[%swap3A_58, %swap3A_59], %swap3A_62 {strides = array<i32>} : memref<128x128xf32, #tpu.memory_space<vmem>>, vector<1x16xf32>,
      %swap3A_63 = arith.index_cast %scan3A_38 : i32 to index
      %swap3A_64 = arith.constant 80 : index
      %swap3A_65 = tpu.vector_load %arg8[%swap3A_63, %swap3A_64] {strides = array<i32>} : memref<128x128xf32, #tpu.memory_space<vmem>>, vector<1x16xf32>,
      %swap3A_66 = vector.shape_cast %swap3A_65 : vector<1x16xf32> to vector<16xf32>
      %swap3A_67 = vector.shape_cast %broadcast_in_dim3A_1 : vector<16xf32> to vector<1x16xf32>
      tpu.vector_store %arg8[%swap3A_63, %swap3A_64], %swap3A_67 {strides = array<i32>} : memref<128x128xf32, #tpu.memory_space<vmem>>, vector<1x16xf32>,
      %swap3A_68 = arith.index_cast %scan3A_38 : i32 to index
      %swap3A_69 = arith.constant 96 : index
      %swap3A_70 = tpu.vector_load %arg8[%swap3A_68, %swap3A_69] {strides = array<i32>} : memref<128x128xf32, #tpu.memory_space<vmem>>, vector<1x16xf32>,
      %swap3A_71 = vector.shape_cast %swap3A_70 : vector<1x16xf32> to vector<16xf32>
      %swap3A_72 = vector.shape_cast %broadcast_in_dim3A_1 : vector<16xf32> to vector<1x16xf32>
      tpu.vector_store %arg8[%swap3A_68, %swap3A_69], %swap3A_72 {strides = array<i32>} : memref<128x128xf32, #tpu.memory_space<vmem>>, vector<1x16xf32>,
      %swap3A_73 = arith.index_cast %scan3A_38 : i32 to index
      %swap3A_74 = arith.constant 112 : index
      %swap3A_75 = tpu.vector_load %arg8[%swap3A_73, %swap3A_74] {strides = array<i32>} : memref<128x128xf32, #tpu.memory_space<vmem>>, vector<1x16xf32>,
      %swap3A_76 = vector.shape_cast %swap3A_75 : vector<1x16xf32> to vector<16xf32>
      %swap3A_77 = vector.shape_cast %broadcast_in_dim3A_1 : vector<16xf32> to vector<1x16xf32>
      tpu.vector_store %arg8[%swap3A_73, %swap3A_74], %swap3A_77 {strides = array<i32>} : memref<128x128xf32, #tpu.memory_space<vmem>>, vector<1x16xf32>,
    }
    %scan3A_6 = arith.constant 128 : i32
    %mul3A_7 = arith.constant 640 : i32
    %mul3A_8 = arith.muli %arg1, %mul3A_7 : i32
    %add3A_9 = arith.constant 0 : i32
    %add3A_10 = arith.addi %mul3A_8, %add3A_9 : i32
    "tpu.region"() ({
      %run_scoped3A = tpu.sem_alloc : memref<!tpu.dma_semaphore, #tpu.memory_space<semaphore_mem>>
      %dma_start3A = arith.constant 0 : i32
      %dma_start3A_38 = tpu.memref_slice %arg9[%add3A_10, %dma_start3A] : memref<10240x128xf32, #tpu.memory_space<vmem_shared>> -> memref<128x128xf32, #tpu.memory_space<vmem_shared>>
      %dma_start3A_39 = arith.constant 0 : i32
      %dma_start3A_40 = tpu.memref_slice %arg9[%add3A_10, %dma_start3A_39] : memref<10240x128xf32, #tpu.memory_space<vmem_shared>> -> memref<128x128xf32, #tpu.memory_space<vmem_shared>>
      tpu.enqueue_dma source(%arg8 : memref<128x128xf32, #tpu.memory_space<vmem>>) target(%dma_start3A_40 : memref<128x128xf32, #tpu.memory_space<vmem_shared>>) target_semaphore(%run_scoped3A : memref<!tpu.dma_semaphore, #tpu.memory_space<semaphore_mem>>)
      %dma_wait3A = arith.constant 0 : i32
      %dma_wait3A_41 = tpu.memref_slice %arg9[%add3A_10, %dma_wait3A] : memref<10240x128xf32, #tpu.memory_space<vmem_shared>> -> memref<128x128xf32, #tpu.memory_space<vmem_shared>>
      %dma_wait3A_42 = arith.constant 0 : i32
      %dma_wait3A_43 = tpu.memref_slice %arg9[%add3A_10, %dma_wait3A_42] : memref<10240x128xf32, #tpu.memory_space<vmem_shared>> -> memref<128x128xf32, #tpu.memory_space<vmem_shared>>
      tpu.wait_dma2 semaphore(%run_scoped3A : memref<!tpu.dma_semaphore, #tpu.memory_space<semaphore_mem>>) src(%arg8 : memref<128x128xf32, #tpu.memory_space<vmem>>) dst(%dma_wait3A_43 : memref<128x128xf32, #tpu.memory_space<vmem_shared>>)
      tpu.yield
    }) : () -> ()
    %mul3A_11 = arith.constant 640 : i32
    %mul3A_12 = arith.muli %arg1, %mul3A_11 : i32
    %add3A_13 = arith.constant 128 : i32
    %add3A_14 = arith.addi %mul3A_12, %add3A_13 : i32
    "tpu.region"() ({
      %run_scoped3A = tpu.sem_alloc : memref<!tpu.dma_semaphore, #tpu.memory_space<semaphore_mem>>
      %dma_start3A = arith.constant 0 : i32
      %dma_start3A_38 = tpu.memref_slice %arg9[%add3A_14, %dma_start3A] : memref<10240x128xf32, #tpu.memory_space<vmem_shared>> -> memref<128x128xf32, #tpu.memory_space<vmem_shared>>
      %dma_start3A_39 = arith.constant 0 : i32
      %dma_start3A_40 = tpu.memref_slice %arg9[%add3A_14, %dma_start3A_39] : memref<10240x128xf32, #tpu.memory_space<vmem_shared>> -> memref<128x128xf32, #tpu.memory_space<vmem_shared>>
      tpu.enqueue_dma source(%arg8 : memref<128x128xf32, #tpu.memory_space<vmem>>) target(%dma_start3A_40 : memref<128x128xf32, #tpu.memory_space<vmem_shared>>) target_semaphore(%run_scoped3A : memref<!tpu.dma_semaphore, #tpu.memory_space<semaphore_mem>>)
      %dma_wait3A = arith.constant 0 : i32
      %dma_wait3A_41 = tpu.memref_slice %arg9[%add3A_14, %dma_wait3A] : memref<10240x128xf32, #tpu.memory_space<vmem_shared>> -> memref<128x128xf32, #tpu.memory_space<vmem_shared>>
      %dma_wait3A_42 = arith.constant 0 : i32
      %dma_wait3A_43 = tpu.memref_slice %arg9[%add3A_14, %dma_wait3A_42] : memref<10240x128xf32, #tpu.memory_space<vmem_shared>> -> memref<128x128xf32, #tpu.memory_space<vmem_shared>>
      tpu.wait_dma2 semaphore(%run_scoped3A : memref<!tpu.dma_semaphore, #tpu.memory_space<semaphore_mem>>) src(%arg8 : memref<128x128xf32, #tpu.memory_space<vmem>>) dst(%dma_wait3A_43 : memref<128x128xf32, #tpu.memory_space<vmem_shared>>)
      tpu.yield
    }) : () -> ()
    %mul3A_15 = arith.constant 640 : i32
    %mul3A_16 = arith.muli %arg1, %mul3A_15 : i32
    %add3A_17 = arith.constant 256 : i32
    %add3A_18 = arith.addi %mul3A_16, %add3A_17 : i32
    "tpu.region"() ({
      %run_scoped3A = tpu.sem_alloc : memref<!tpu.dma_semaphore, #tpu.memory_space<semaphore_mem>>
      %dma_start3A = arith.constant 0 : i32
      %dma_start3A_38 = tpu.memref_slice %arg9[%add3A_18, %dma_start3A] : memref<10240x128xf32, #tpu.memory_space<vmem_shared>> -> memref<128x128xf32, #tpu.memory_space<vmem_shared>>
      %dma_start3A_39 = arith.constant 0 : i32
      %dma_start3A_40 = tpu.memref_slice %arg9[%add3A_18, %dma_start3A_39] : memref<10240x128xf32, #tpu.memory_space<vmem_shared>> -> memref<128x128xf32, #tpu.memory_space<vmem_shared>>
      tpu.enqueue_dma source(%arg8 : memref<128x128xf32, #tpu.memory_space<vmem>>) target(%dma_start3A_40 : memref<128x128xf32, #tpu.memory_space<vmem_shared>>) target_semaphore(%run_scoped3A : memref<!tpu.dma_semaphore, #tpu.memory_space<semaphore_mem>>)
      %dma_wait3A = arith.constant 0 : i32
      %dma_wait3A_41 = tpu.memref_slice %arg9[%add3A_18, %dma_wait3A] : memref<10240x128xf32, #tpu.memory_space<vmem_shared>> -> memref<128x128xf32, #tpu.memory_space<vmem_shared>>
      %dma_wait3A_42 = arith.constant 0 : i32
      %dma_wait3A_43 = tpu.memref_slice %arg9[%add3A_18, %dma_wait3A_42] : memref<10240x128xf32, #tpu.memory_space<vmem_shared>> -> memref<128x128xf32, #tpu.memory_space<vmem_shared>>
      tpu.wait_dma2 semaphore(%run_scoped3A : memref<!tpu.dma_semaphore, #tpu.memory_space<semaphore_mem>>) src(%arg8 : memref<128x128xf32, #tpu.memory_space<vmem>>) dst(%dma_wait3A_43 : memref<128x128xf32, #tpu.memory_space<vmem_shared>>)
      tpu.yield
    }) : () -> ()
    %mul3A_19 = arith.constant 640 : i32
    %mul3A_20 = arith.muli %arg1, %mul3A_19 : i32
    %add3A_21 = arith.constant 384 : i32
    %add3A_22 = arith.addi %mul3A_20, %add3A_21 : i32
    "tpu.region"() ({
      %run_scoped3A = tpu.sem_alloc : memref<!tpu.dma_semaphore, #tpu.memory_space<semaphore_mem>>
      %dma_start3A = arith.constant 0 : i32
      %dma_start3A_38 = tpu.memref_slice %arg9[%add3A_22, %dma_start3A] : memref<10240x128xf32, #tpu.memory_space<vmem_shared>> -> memref<128x128xf32, #tpu.memory_space<vmem_shared>>
      %dma_start3A_39 = arith.constant 0 : i32
      %dma_start3A_40 = tpu.memref_slice %arg9[%add3A_22, %dma_start3A_39] : memref<10240x128xf32, #tpu.memory_space<vmem_shared>> -> memref<128x128xf32, #tpu.memory_space<vmem_shared>>
      tpu.enqueue_dma source(%arg8 : memref<128x128xf32, #tpu.memory_space<vmem>>) target(%dma_start3A_40 : memref<128x128xf32, #tpu.memory_space<vmem_shared>>) target_semaphore(%run_scoped3A : memref<!tpu.dma_semaphore, #tpu.memory_space<semaphore_mem>>)
      %dma_wait3A = arith.constant 0 : i32
      %dma_wait3A_41 = tpu.memref_slice %arg9[%add3A_22, %dma_wait3A] : memref<10240x128xf32, #tpu.memory_space<vmem_shared>> -> memref<128x128xf32, #tpu.memory_space<vmem_shared>>
      %dma_wait3A_42 = arith.constant 0 : i32
      %dma_wait3A_43 = tpu.memref_slice %arg9[%add3A_22, %dma_wait3A_42] : memref<10240x128xf32, #tpu.memory_space<vmem_shared>> -> memref<128x128xf32, #tpu.memory_space<vmem_shared>>
      tpu.wait_dma2 semaphore(%run_scoped3A : memref<!tpu.dma_semaphore, #tpu.memory_space<semaphore_mem>>) src(%arg8 : memref<128x128xf32, #tpu.memory_space<vmem>>) dst(%dma_wait3A_43 : memref<128x128xf32, #tpu.memory_space<vmem_shared>>)
      tpu.yield
    }) : () -> ()
    %mul3A_23 = arith.constant 640 : i32
    %mul3A_24 = arith.muli %arg1, %mul3A_23 : i32
    %add3A_25 = arith.constant 512 : i32
    %add3A_26 = arith.addi %mul3A_24, %add3A_25 : i32
    "tpu.region"() ({
      %run_scoped3A = tpu.sem_alloc : memref<!tpu.dma_semaphore, #tpu.memory_space<semaphore_mem>>
      %dma_start3A = arith.constant 0 : i32
      %dma_start3A_38 = tpu.memref_slice %arg9[%add3A_26, %dma_start3A] : memref<10240x128xf32, #tpu.memory_space<vmem_shared>> -> memref<128x128xf32, #tpu.memory_space<vmem_shared>>
      %dma_start3A_39 = arith.constant 0 : i32
      %dma_start3A_40 = tpu.memref_slice %arg9[%add3A_26, %dma_start3A_39] : memref<10240x128xf32, #tpu.memory_space<vmem_shared>> -> memref<128x128xf32, #tpu.memory_space<vmem_shared>>
      tpu.enqueue_dma source(%arg8 : memref<128x128xf32, #tpu.memory_space<vmem>>) target(%dma_start3A_40 : memref<128x128xf32, #tpu.memory_space<vmem_shared>>) target_semaphore(%run_scoped3A : memref<!tpu.dma_semaphore, #tpu.memory_space<semaphore_mem>>)
      %dma_wait3A = arith.constant 0 : i32
      %dma_wait3A_41 = tpu.memref_slice %arg9[%add3A_26, %dma_wait3A] : memref<10240x128xf32, #tpu.memory_space<vmem_shared>> -> memref<128x128xf32, #tpu.memory_space<vmem_shared>>
      %dma_wait3A_42 = arith.constant 0 : i32
      %dma_wait3A_43 = tpu.memref_slice %arg9[%add3A_26, %dma_wait3A_42] : memref<10240x128xf32, #tpu.memory_space<vmem_shared>> -> memref<128x128xf32, #tpu.memory_space<vmem_shared>>
      tpu.wait_dma2 semaphore(%run_scoped3A : memref<!tpu.dma_semaphore, #tpu.memory_space<semaphore_mem>>) src(%arg8 : memref<128x128xf32, #tpu.memory_space<vmem>>) dst(%dma_wait3A_43 : memref<128x128xf32, #tpu.memory_space<vmem_shared>>)
      tpu.yield
    }) : () -> ()
    %barrier3A = arith.constant 0 : index
    tpu.barrier barrier_id(%barrier3A)
    %scan3A_27 = arith.constant 0 : i32
    %scan3A_28 = arith.constant 0 : i32
    %scan3A_29 = arith.constant 79 : i32
    %scan3A_30 = arith.addi %scan3A_28, %scan3A_29 : i32
    %scan3A_31 = arith.constant 1 : i32
    scf.for %scan3A_38 = %scan3A_28 to %scan3A_30 step %scan3A_31  : i32 {
      "tpu.region"() ({
        %run_scoped3A = tpu.sem_alloc : memref<!tpu.dma_semaphore, #tpu.memory_space<semaphore_mem>>
        %dma_start3A_43 = arith.constant 0 : i32
        %dma_start3A_44 = tpu.memref_slice %arg3[%add3A, %scan3A_38, %dma_start3A_43] : memref<32x79x128xi32, #tpu.memory_space<hbm>> -> memref<1x1x128xi32, #tpu.memory_space<hbm>>
        %dma_start3A_45 = tpu.memref_squeeze %dma_start3A_44 : memref<1x1x128xi32, #tpu.memory_space<hbm>> -> memref<128xi32, #tpu.memory_space<hbm>>
        %dma_start3A_46 = arith.constant 0 : i32
        %dma_start3A_47 = tpu.memref_slice %arg3[%add3A, %scan3A_38, %dma_start3A_46] : memref<32x79x128xi32, #tpu.memory_space<hbm>> -> memref<1x1x128xi32, #tpu.memory_space<hbm>>
        %dma_start3A_48 = tpu.memref_squeeze %dma_start3A_47 : memref<1x1x128xi32, #tpu.memory_space<hbm>> -> memref<128xi32, #tpu.memory_space<hbm>>
        tpu.enqueue_dma source(%dma_start3A_48 : memref<128xi32, #tpu.memory_space<hbm>>) target(%arg6 : memref<128xi32, #tpu.memory_space<vmem>>) target_semaphore(%run_scoped3A : memref<!tpu.dma_semaphore, #tpu.memory_space<semaphore_mem>>)
        %dma_wait3A_49 = arith.constant 0 : i32
        %dma_wait3A_50 = tpu.memref_slice %arg3[%add3A, %scan3A_38, %dma_wait3A_49] : memref<32x79x128xi32, #tpu.memory_space<hbm>> -> memref<1x1x128xi32, #tpu.memory_space<hbm>>
        %dma_wait3A_51 = tpu.memref_squeeze %dma_wait3A_50 : memref<1x1x128xi32, #tpu.memory_space<hbm>> -> memref<128xi32, #tpu.memory_space<hbm>>
        %dma_wait3A_52 = arith.constant 0 : i32
        %dma_wait3A_53 = tpu.memref_slice %arg3[%add3A, %scan3A_38, %dma_wait3A_52] : memref<32x79x128xi32, #tpu.memory_space<hbm>> -> memref<1x1x128xi32, #tpu.memory_space<hbm>>
        %dma_wait3A_54 = tpu.memref_squeeze %dma_wait3A_53 : memref<1x1x128xi32, #tpu.memory_space<hbm>> -> memref<128xi32, #tpu.memory_space<hbm>>
        tpu.wait_dma2 semaphore(%run_scoped3A : memref<!tpu.dma_semaphore, #tpu.memory_space<semaphore_mem>>) src(%dma_wait3A_54 : memref<128xi32, #tpu.memory_space<hbm>>) dst(%arg6 : memref<128xi32, #tpu.memory_space<vmem>>)
        tpu.yield
      }) : () -> ()
      "tpu.region"() ({
        %run_scoped3A = tpu.sem_alloc : memref<!tpu.dma_semaphore, #tpu.memory_space<semaphore_mem>>
        %dma_start3A_43 = arith.constant 0 : i32
        %dma_start3A_44 = tpu.memref_slice %arg4[%add3A, %scan3A_38, %dma_start3A_43] : memref<32x79x128xi32, #tpu.memory_space<hbm>> -> memref<1x1x128xi32, #tpu.memory_space<hbm>>
        %dma_start3A_45 = tpu.memref_squeeze %dma_start3A_44 : memref<1x1x128xi32, #tpu.memory_space<hbm>> -> memref<128xi32, #tpu.memory_space<hbm>>
        %dma_start3A_46 = arith.constant 0 : i32
        %dma_start3A_47 = tpu.memref_slice %arg4[%add3A, %scan3A_38, %dma_start3A_46] : memref<32x79x128xi32, #tpu.memory_space<hbm>> -> memref<1x1x128xi32, #tpu.memory_space<hbm>>
        %dma_start3A_48 = tpu.memref_squeeze %dma_start3A_47 : memref<1x1x128xi32, #tpu.memory_space<hbm>> -> memref<128xi32, #tpu.memory_space<hbm>>
        tpu.enqueue_dma source(%dma_start3A_48 : memref<128xi32, #tpu.memory_space<hbm>>) target(%arg7 : memref<128xi32, #tpu.memory_space<vmem>>) target_semaphore(%run_scoped3A : memref<!tpu.dma_semaphore, #tpu.memory_space<semaphore_mem>>)
        %dma_wait3A_49 = arith.constant 0 : i32
        %dma_wait3A_50 = tpu.memref_slice %arg4[%add3A, %scan3A_38, %dma_wait3A_49] : memref<32x79x128xi32, #tpu.memory_space<hbm>> -> memref<1x1x128xi32, #tpu.memory_space<hbm>>
        %dma_wait3A_51 = tpu.memref_squeeze %dma_wait3A_50 : memref<1x1x128xi32, #tpu.memory_space<hbm>> -> memref<128xi32, #tpu.memory_space<hbm>>
        %dma_wait3A_52 = arith.constant 0 : i32
        %dma_wait3A_53 = tpu.memref_slice %arg4[%add3A, %scan3A_38, %dma_wait3A_52] : memref<32x79x128xi32, #tpu.memory_space<hbm>> -> memref<1x1x128xi32, #tpu.memory_space<hbm>>
        %dma_wait3A_54 = tpu.memref_squeeze %dma_wait3A_53 : memref<1x1x128xi32, #tpu.memory_space<hbm>> -> memref<128xi32, #tpu.memory_space<hbm>>
        tpu.wait_dma2 semaphore(%run_scoped3A : memref<!tpu.dma_semaphore, #tpu.memory_space<semaphore_mem>>) src(%dma_wait3A_54 : memref<128xi32, #tpu.memory_space<hbm>>) dst(%arg7 : memref<128xi32, #tpu.memory_space<vmem>>)
        tpu.yield
      }) : () -> ()
      %dma_start3A = arith.constant 0 : i32
      %dma_start3A_39 = arith.constant 0 : i32
      %dma_start3A_40 = tpu.memref_slice %arg2[%dma_start3A, %dma_start3A_39] : memref<10000x128xf32, #tpu.memory_space<hbm>> -> memref<10000x128xf32, #tpu.memory_space<hbm>>
      tpu.enqueue_indirect_dma source(%dma_start3A_40 : memref<10000x128xf32, #tpu.memory_space<hbm>>) target(%arg8 : memref<128x128xf32, #tpu.memory_space<vmem>>) offsets(%arg6 : memref<128xi32, #tpu.memory_space<vmem>>) semaphore(%arg10 : memref<!tpu.dma_semaphore, #tpu.memory_space<semaphore_mem>>)
      %dma_wait3A = arith.constant 0 : i32
      %dma_wait3A_41 = arith.constant 0 : i32
      %dma_wait3A_42 = tpu.memref_slice %arg2[%dma_wait3A, %dma_wait3A_41] : memref<10000x128xf32, #tpu.memory_space<hbm>> -> memref<10000x128xf32, #tpu.memory_space<hbm>>
      tpu.wait_indirect_dma semaphore(%arg10 : memref<!tpu.dma_semaphore, #tpu.memory_space<semaphore_mem>>) src(%dma_wait3A_42 : memref<10000x128xf32, #tpu.memory_space<hbm>>) dst(%arg8 : memref<128x128xf32, #tpu.memory_space<vmem>>)
      "tpu.region"() ({
        %run_scoped3A = tpu.sem_alloc : memref<!tpu.dma_semaphore, #tpu.memory_space<semaphore_mem>>
        %dma_start3A_43 = arith.constant 0 : i32
        %dma_start3A_44 = arith.constant 0 : i32
        %dma_start3A_45 = tpu.memref_slice %arg9[%dma_start3A_43, %dma_start3A_44] : memref<10240x128xf32, #tpu.memory_space<vmem_shared>> -> memref<10240x128xf32, #tpu.memory_space<vmem_shared>>
        tpu.enqueue_indirect_dma source(%arg8 : memref<128x128xf32, #tpu.memory_space<vmem>>) target(%dma_start3A_45 : memref<10240x128xf32, #tpu.memory_space<vmem_shared>>) offsets(%arg7 : memref<128xi32, #tpu.memory_space<vmem>>) semaphore(%run_scoped3A : memref<!tpu.dma_semaphore, #tpu.memory_space<semaphore_mem>>) {add = true}
        %dma_wait3A_46 = arith.constant 0 : i32
        %dma_wait3A_47 = arith.constant 0 : i32
        %dma_wait3A_48 = tpu.memref_slice %arg9[%dma_wait3A_46, %dma_wait3A_47] : memref<10240x128xf32, #tpu.memory_space<vmem_shared>> -> memref<10240x128xf32, #tpu.memory_space<vmem_shared>>
        tpu.wait_indirect_dma semaphore(%run_scoped3A : memref<!tpu.dma_semaphore, #tpu.memory_space<semaphore_mem>>) src(%arg8 : memref<128x128xf32, #tpu.memory_space<vmem>>) dst(%dma_wait3A_48 : memref<10240x128xf32, #tpu.memory_space<vmem_shared>>)
        tpu.yield
      }) : () -> ()
    }
    %scan3A_32 = arith.constant 79 : i32
    %barrier3A_33 = arith.constant 0 : index
    tpu.barrier barrier_id(%barrier3A_33)
    %mul3A_34 = arith.constant 640 : i32
    %mul3A_35 = arith.muli %arg1, %mul3A_34 : i32
    %mul3A_36 = arith.constant 640 : i32
    %mul3A_37 = arith.muli %arg1, %mul3A_36 : i32
    "tpu.region"() ({
      %run_scoped3A = tpu.sem_alloc : memref<!tpu.dma_semaphore, #tpu.memory_space<semaphore_mem>>
      %dma_start3A = arith.constant 0 : i32
      %dma_start3A_38 = tpu.memref_slice %arg5[%arg0, %mul3A_37, %dma_start3A] : memref<2x10240x128xf32, #tpu.memory_space<hbm>> -> memref<1x640x128xf32, #tpu.memory_space<hbm>>
      %dma_start3A_39 = tpu.memref_squeeze %dma_start3A_38 : memref<1x640x128xf32, #tpu.memory_space<hbm>> -> memref<640x128xf32, #tpu.memory_space<hbm>>
      %dma_start3A_40 = arith.constant 0 : i32
      %dma_start3A_41 = tpu.memref_slice %arg9[%mul3A_35, %dma_start3A_40] : memref<10240x128xf32, #tpu.memory_space<vmem_shared>> -> memref<640x128xf32, #tpu.memory_space<vmem_shared>>
      tpu.enqueue_dma source(%dma_start3A_41 : memref<640x128xf32, #tpu.memory_space<vmem_shared>>) target(%dma_start3A_39 : memref<640x128xf32, #tpu.memory_space<hbm>>) target_semaphore(%run_scoped3A : memref<!tpu.dma_semaphore, #tpu.memory_space<semaphore_mem>>)
      %dma_wait3A = arith.constant 0 : i32
      %dma_wait3A_42 = tpu.memref_slice %arg5[%arg0, %mul3A_37, %dma_wait3A] : memref<2x10240x128xf32, #tpu.memory_space<hbm>> -> memref<1x640x128xf32, #tpu.memory_space<hbm>>
      %dma_wait3A_43 = tpu.memref_squeeze %dma_wait3A_42 : memref<1x640x128xf32, #tpu.memory_space<hbm>> -> memref<640x128xf32, #tpu.memory_space<hbm>>
      %dma_wait3A_44 = arith.constant 0 : i32
      %dma_wait3A_45 = tpu.memref_slice %arg9[%mul3A_35, %dma_wait3A_44] : memref<10240x128xf32, #tpu.memory_space<vmem_shared>> -> memref<640x128xf32, #tpu.memory_space<vmem_shared>>
      tpu.wait_dma2 semaphore(%run_scoped3A : memref<!tpu.dma_semaphore, #tpu.memory_space<semaphore_mem>>) src(%dma_wait3A_45 : memref<640x128xf32, #tpu.memory_space<vmem_shared>>) dst(%dma_wait3A_43 : memref<640x128xf32, #tpu.memory_space<hbm>>)
      tpu.yield
    }) : () -> ()
    return
  }
}

#map = affine_map<(d0, d1) -> (0, 0)>
#map1 = affine_map<(d0, d1) -> (0, 0, 0)>
module attributes {stable_mosaic.version = 14 : i64} {
  func.func @_sc_scatter(%arg0: i32, %arg1: i32, %arg2: memref<10000x128xf32, #tpu.memory_space<hbm>>, %arg3: memref<32x79x128xi32, #tpu.memory_space<hbm>>, %arg4: memref<32x79x128xi32, #tpu.memory_space<hbm>>, %arg5: memref<2x10240x128xf32, #tpu.memory_space<hbm>>, %arg6: memref<128xi32, #tpu.memory_space<vmem>>, %arg7: memref<128xi32, #tpu.memory_space<vmem>>, %arg8: memref<128x128xf32, #tpu.memory_space<vmem>>, %arg9: memref<10240x128xf32, #tpu.memory_space<vmem_shared>>, %arg10: memref<!tpu.dma_semaphore, #tpu.memory_space<semaphore_mem>>) attributes {dimension_semantics = [#tpu.dimension_semantics<core_parallel>, #tpu.dimension_semantics<subcore_parallel>], iteration_bounds = array<i64: 2, 16>, scalar_prefetch = 0 : i64, scratch_operands = 5 : i64, tpu.core_type = #tpu.core_type<sc_vector_subcore>, window_params = [{transform_indices = #map}, {transform_indices = #map1}, {transform_indices = #map1}, {transform_indices = #map1}]} {
    %mul3A = arith.constant 16 : i32
    %mul3A_0 = arith.muli %arg0, %mul3A : i32
    %add3A = arith.addi %mul3A_0, %arg1 : i32
    %broadcast_in_dim3A = arith.constant 0.000000e+00 : f32
    %broadcast_in_dim3A_1 = vector.broadcast %broadcast_in_dim3A : f32 to vector<16xf32>
    %scan3A = arith.constant 0 : i32
    %scan3A_2 = arith.constant 0 : i32
    %scan3A_3 = arith.constant 128 : i32
    %scan3A_4 = arith.addi %scan3A_2, %scan3A_3 : i32
    %scan3A_5 = arith.constant 1 : i32
    scf.for %scan3A_38 = %scan3A_2 to %scan3A_4 step %scan3A_5  : i32 {
      %swap3A = arith.index_cast %scan3A_38 : i32 to index
      %swap3A_39 = arith.constant 0 : index
      %swap3A_40 = tpu.vector_load %arg8[%swap3A, %swap3A_39] {strides = array<i32>} : memref<128x128xf32, #tpu.memory_space<vmem>>, vector<1x16xf32>,
      %swap3A_41 = vector.shape_cast %swap3A_40 : vector<1x16xf32> to vector<16xf32>
      %swap3A_42 = vector.shape_cast %broadcast_in_dim3A_1 : vector<16xf32> to vector<1x16xf32>
      tpu.vector_store %arg8[%swap3A, %swap3A_39], %swap3A_42 {strides = array<i32>} : memref<128x128xf32, #tpu.memory_space<vmem>>, vector<1x16xf32>,
      %swap3A_43 = arith.index_cast %scan3A_38 : i32 to index
      %swap3A_44 = arith.constant 16 : index
      %swap3A_45 = tpu.vector_load %arg8[%swap3A_43, %swap3A_44] {strides = array<i32>} : memref<128x128xf32, #tpu.memory_space<vmem>>, vector<1x16xf32>,
      %swap3A_46 = vector.shape_cast %swap3A_45 : vector<1x16xf32> to vector<16xf32>
      %swap3A_47 = vector.shape_cast %broadcast_in_dim3A_1 : vector<16xf32> to vector<1x16xf32>
      tpu.vector_store %arg8[%swap3A_43, %swap3A_44], %swap3A_47 {strides = array<i32>} : memref<128x128xf32, #tpu.memory_space<vmem>>, vector<1x16xf32>,
      %swap3A_48 = arith.index_cast %scan3A_38 : i32 to index
      %swap3A_49 = arith.constant 32 : index
      %swap3A_50 = tpu.vector_load %arg8[%swap3A_48, %swap3A_49] {strides = array<i32>} : memref<128x128xf32, #tpu.memory_space<vmem>>, vector<1x16xf32>,
      %swap3A_51 = vector.shape_cast %swap3A_50 : vector<1x16xf32> to vector<16xf32>
      %swap3A_52 = vector.shape_cast %broadcast_in_dim3A_1 : vector<16xf32> to vector<1x16xf32>
      tpu.vector_store %arg8[%swap3A_48, %swap3A_49], %swap3A_52 {strides = array<i32>} : memref<128x128xf32, #tpu.memory_space<vmem>>, vector<1x16xf32>,
      %swap3A_53 = arith.index_cast %scan3A_38 : i32 to index
      %swap3A_54 = arith.constant 48 : index
      %swap3A_55 = tpu.vector_load %arg8[%swap3A_53, %swap3A_54] {strides = array<i32>} : memref<128x128xf32, #tpu.memory_space<vmem>>, vector<1x16xf32>,
      %swap3A_56 = vector.shape_cast %swap3A_55 : vector<1x16xf32> to vector<16xf32>
      %swap3A_57 = vector.shape_cast %broadcast_in_dim3A_1 : vector<16xf32> to vector<1x16xf32>
      tpu.vector_store %arg8[%swap3A_53, %swap3A_54], %swap3A_57 {strides = array<i32>} : memref<128x128xf32, #tpu.memory_space<vmem>>, vector<1x16xf32>,
      %swap3A_58 = arith.index_cast %scan3A_38 : i32 to index
      %swap3A_59 = arith.constant 64 : index
      %swap3A_60 = tpu.vector_load %arg8[%swap3A_58, %swap3A_59] {strides = array<i32>} : memref<128x128xf32, #tpu.memory_space<vmem>>, vector<1x16xf32>,
      %swap3A_61 = vector.shape_cast %swap3A_60 : vector<1x16xf32> to vector<16xf32>
      %swap3A_62 = vector.shape_cast %broadcast_in_dim3A_1 : vector<16xf32> to vector<1x16xf32>
      tpu.vector_store %arg8[%swap3A_58, %swap3A_59], %swap3A_62 {strides = array<i32>} : memref<128x128xf32, #tpu.memory_space<vmem>>, vector<1x16xf32>,
      %swap3A_63 = arith.index_cast %scan3A_38 : i32 to index
      %swap3A_64 = arith.constant 80 : index
      %swap3A_65 = tpu.vector_load %arg8[%swap3A_63, %swap3A_64] {strides = array<i32>} : memref<128x128xf32, #tpu.memory_space<vmem>>, vector<1x16xf32>,
      %swap3A_66 = vector.shape_cast %swap3A_65 : vector<1x16xf32> to vector<16xf32>
      %swap3A_67 = vector.shape_cast %broadcast_in_dim3A_1 : vector<16xf32> to vector<1x16xf32>
      tpu.vector_store %arg8[%swap3A_63, %swap3A_64], %swap3A_67 {strides = array<i32>} : memref<128x128xf32, #tpu.memory_space<vmem>>, vector<1x16xf32>,
      %swap3A_68 = arith.index_cast %scan3A_38 : i32 to index
      %swap3A_69 = arith.constant 96 : index
      %swap3A_70 = tpu.vector_load %arg8[%swap3A_68, %swap3A_69] {strides = array<i32>} : memref<128x128xf32, #tpu.memory_space<vmem>>, vector<1x16xf32>,
      %swap3A_71 = vector.shape_cast %swap3A_70 : vector<1x16xf32> to vector<16xf32>
      %swap3A_72 = vector.shape_cast %broadcast_in_dim3A_1 : vector<16xf32> to vector<1x16xf32>
      tpu.vector_store %arg8[%swap3A_68, %swap3A_69], %swap3A_72 {strides = array<i32>} : memref<128x128xf32, #tpu.memory_space<vmem>>, vector<1x16xf32>,
      %swap3A_73 = arith.index_cast %scan3A_38 : i32 to index
      %swap3A_74 = arith.constant 112 : index
      %swap3A_75 = tpu.vector_load %arg8[%swap3A_73, %swap3A_74] {strides = array<i32>} : memref<128x128xf32, #tpu.memory_space<vmem>>, vector<1x16xf32>,
      %swap3A_76 = vector.shape_cast %swap3A_75 : vector<1x16xf32> to vector<16xf32>
      %swap3A_77 = vector.shape_cast %broadcast_in_dim3A_1 : vector<16xf32> to vector<1x16xf32>
      tpu.vector_store %arg8[%swap3A_73, %swap3A_74], %swap3A_77 {strides = array<i32>} : memref<128x128xf32, #tpu.memory_space<vmem>>, vector<1x16xf32>,
    }
    %scan3A_6 = arith.constant 128 : i32
    %mul3A_7 = arith.constant 640 : i32
    %mul3A_8 = arith.muli %arg1, %mul3A_7 : i32
    %add3A_9 = arith.constant 0 : i32
    %add3A_10 = arith.addi %mul3A_8, %add3A_9 : i32
    "tpu.region"() ({
      %run_scoped3A = tpu.sem_alloc : memref<!tpu.dma_semaphore, #tpu.memory_space<semaphore_mem>>
      %dma_start3A = arith.constant 0 : i32
      %dma_start3A_38 = tpu.memref_slice %arg9[%add3A_10, %dma_start3A] : memref<10240x128xf32, #tpu.memory_space<vmem_shared>> -> memref<128x128xf32, #tpu.memory_space<vmem_shared>>
      %dma_start3A_39 = arith.constant 0 : i32
      %dma_start3A_40 = tpu.memref_slice %arg9[%add3A_10, %dma_start3A_39] : memref<10240x128xf32, #tpu.memory_space<vmem_shared>> -> memref<128x128xf32, #tpu.memory_space<vmem_shared>>
      tpu.enqueue_dma source(%arg8 : memref<128x128xf32, #tpu.memory_space<vmem>>) target(%dma_start3A_40 : memref<128x128xf32, #tpu.memory_space<vmem_shared>>) target_semaphore(%run_scoped3A : memref<!tpu.dma_semaphore, #tpu.memory_space<semaphore_mem>>)
      %dma_wait3A = arith.constant 0 : i32
      %dma_wait3A_41 = tpu.memref_slice %arg9[%add3A_10, %dma_wait3A] : memref<10240x128xf32, #tpu.memory_space<vmem_shared>> -> memref<128x128xf32, #tpu.memory_space<vmem_shared>>
      %dma_wait3A_42 = arith.constant 0 : i32
      %dma_wait3A_43 = tpu.memref_slice %arg9[%add3A_10, %dma_wait3A_42] : memref<10240x128xf32, #tpu.memory_space<vmem_shared>> -> memref<128x128xf32, #tpu.memory_space<vmem_shared>>
      tpu.wait_dma2 semaphore(%run_scoped3A : memref<!tpu.dma_semaphore, #tpu.memory_space<semaphore_mem>>) src(%arg8 : memref<128x128xf32, #tpu.memory_space<vmem>>) dst(%dma_wait3A_43 : memref<128x128xf32, #tpu.memory_space<vmem_shared>>)
      tpu.yield
    }) : () -> ()
    %mul3A_11 = arith.constant 640 : i32
    %mul3A_12 = arith.muli %arg1, %mul3A_11 : i32
    %add3A_13 = arith.constant 128 : i32
    %add3A_14 = arith.addi %mul3A_12, %add3A_13 : i32
    "tpu.region"() ({
      %run_scoped3A = tpu.sem_alloc : memref<!tpu.dma_semaphore, #tpu.memory_space<semaphore_mem>>
      %dma_start3A = arith.constant 0 : i32
      %dma_start3A_38 = tpu.memref_slice %arg9[%add3A_14, %dma_start3A] : memref<10240x128xf32, #tpu.memory_space<vmem_shared>> -> memref<128x128xf32, #tpu.memory_space<vmem_shared>>
      %dma_start3A_39 = arith.constant 0 : i32
      %dma_start3A_40 = tpu.memref_slice %arg9[%add3A_14, %dma_start3A_39] : memref<10240x128xf32, #tpu.memory_space<vmem_shared>> -> memref<128x128xf32, #tpu.memory_space<vmem_shared>>
      tpu.enqueue_dma source(%arg8 : memref<128x128xf32, #tpu.memory_space<vmem>>) target(%dma_start3A_40 : memref<128x128xf32, #tpu.memory_space<vmem_shared>>) target_semaphore(%run_scoped3A : memref<!tpu.dma_semaphore, #tpu.memory_space<semaphore_mem>>)
      %dma_wait3A = arith.constant 0 : i32
      %dma_wait3A_41 = tpu.memref_slice %arg9[%add3A_14, %dma_wait3A] : memref<10240x128xf32, #tpu.memory_space<vmem_shared>> -> memref<128x128xf32, #tpu.memory_space<vmem_shared>>
      %dma_wait3A_42 = arith.constant 0 : i32
      %dma_wait3A_43 = tpu.memref_slice %arg9[%add3A_14, %dma_wait3A_42] : memref<10240x128xf32, #tpu.memory_space<vmem_shared>> -> memref<128x128xf32, #tpu.memory_space<vmem_shared>>
      tpu.wait_dma2 semaphore(%run_scoped3A : memref<!tpu.dma_semaphore, #tpu.memory_space<semaphore_mem>>) src(%arg8 : memref<128x128xf32, #tpu.memory_space<vmem>>) dst(%dma_wait3A_43 : memref<128x128xf32, #tpu.memory_space<vmem_shared>>)
      tpu.yield
    }) : () -> ()
    %mul3A_15 = arith.constant 640 : i32
    %mul3A_16 = arith.muli %arg1, %mul3A_15 : i32
    %add3A_17 = arith.constant 256 : i32
    %add3A_18 = arith.addi %mul3A_16, %add3A_17 : i32
    "tpu.region"() ({
      %run_scoped3A = tpu.sem_alloc : memref<!tpu.dma_semaphore, #tpu.memory_space<semaphore_mem>>
      %dma_start3A = arith.constant 0 : i32
      %dma_start3A_38 = tpu.memref_slice %arg9[%add3A_18, %dma_start3A] : memref<10240x128xf32, #tpu.memory_space<vmem_shared>> -> memref<128x128xf32, #tpu.memory_space<vmem_shared>>
      %dma_start3A_39 = arith.constant 0 : i32
      %dma_start3A_40 = tpu.memref_slice %arg9[%add3A_18, %dma_start3A_39] : memref<10240x128xf32, #tpu.memory_space<vmem_shared>> -> memref<128x128xf32, #tpu.memory_space<vmem_shared>>
      tpu.enqueue_dma source(%arg8 : memref<128x128xf32, #tpu.memory_space<vmem>>) target(%dma_start3A_40 : memref<128x128xf32, #tpu.memory_space<vmem_shared>>) target_semaphore(%run_scoped3A : memref<!tpu.dma_semaphore, #tpu.memory_space<semaphore_mem>>)
      %dma_wait3A = arith.constant 0 : i32
      %dma_wait3A_41 = tpu.memref_slice %arg9[%add3A_18, %dma_wait3A] : memref<10240x128xf32, #tpu.memory_space<vmem_shared>> -> memref<128x128xf32, #tpu.memory_space<vmem_shared>>
      %dma_wait3A_42 = arith.constant 0 : i32
      %dma_wait3A_43 = tpu.memref_slice %arg9[%add3A_18, %dma_wait3A_42] : memref<10240x128xf32, #tpu.memory_space<vmem_shared>> -> memref<128x128xf32, #tpu.memory_space<vmem_shared>>
      tpu.wait_dma2 semaphore(%run_scoped3A : memref<!tpu.dma_semaphore, #tpu.memory_space<semaphore_mem>>) src(%arg8 : memref<128x128xf32, #tpu.memory_space<vmem>>) dst(%dma_wait3A_43 : memref<128x128xf32, #tpu.memory_space<vmem_shared>>)
      tpu.yield
    }) : () -> ()
    %mul3A_19 = arith.constant 640 : i32
    %mul3A_20 = arith.muli %arg1, %mul3A_19 : i32
    %add3A_21 = arith.constant 384 : i32
    %add3A_22 = arith.addi %mul3A_20, %add3A_21 : i32
    "tpu.region"() ({
      %run_scoped3A = tpu.sem_alloc : memref<!tpu.dma_semaphore, #tpu.memory_space<semaphore_mem>>
      %dma_start3A = arith.constant 0 : i32
      %dma_start3A_38 = tpu.memref_slice %arg9[%add3A_22, %dma_start3A] : memref<10240x128xf32, #tpu.memory_space<vmem_shared>> -> memref<128x128xf32, #tpu.memory_space<vmem_shared>>
      %dma_start3A_39 = arith.constant 0 : i32
      %dma_start3A_40 = tpu.memref_slice %arg9[%add3A_22, %dma_start3A_39] : memref<10240x128xf32, #tpu.memory_space<vmem_shared>> -> memref<128x128xf32, #tpu.memory_space<vmem_shared>>
      tpu.enqueue_dma source(%arg8 : memref<128x128xf32, #tpu.memory_space<vmem>>) target(%dma_start3A_40 : memref<128x128xf32, #tpu.memory_space<vmem_shared>>) target_semaphore(%run_scoped3A : memref<!tpu.dma_semaphore, #tpu.memory_space<semaphore_mem>>)
      %dma_wait3A = arith.constant 0 : i32
      %dma_wait3A_41 = tpu.memref_slice %arg9[%add3A_22, %dma_wait3A] : memref<10240x128xf32, #tpu.memory_space<vmem_shared>> -> memref<128x128xf32, #tpu.memory_space<vmem_shared>>
      %dma_wait3A_42 = arith.constant 0 : i32
      %dma_wait3A_43 = tpu.memref_slice %arg9[%add3A_22, %dma_wait3A_42] : memref<10240x128xf32, #tpu.memory_space<vmem_shared>> -> memref<128x128xf32, #tpu.memory_space<vmem_shared>>
      tpu.wait_dma2 semaphore(%run_scoped3A : memref<!tpu.dma_semaphore, #tpu.memory_space<semaphore_mem>>) src(%arg8 : memref<128x128xf32, #tpu.memory_space<vmem>>) dst(%dma_wait3A_43 : memref<128x128xf32, #tpu.memory_space<vmem_shared>>)
      tpu.yield
    }) : () -> ()
    %mul3A_23 = arith.constant 640 : i32
    %mul3A_24 = arith.muli %arg1, %mul3A_23 : i32
    %add3A_25 = arith.constant 512 : i32
    %add3A_26 = arith.addi %mul3A_24, %add3A_25 : i32
    "tpu.region"() ({
      %run_scoped3A = tpu.sem_alloc : memref<!tpu.dma_semaphore, #tpu.memory_space<semaphore_mem>>
      %dma_start3A = arith.constant 0 : i32
      %dma_start3A_38 = tpu.memref_slice %arg9[%add3A_26, %dma_start3A] : memref<10240x128xf32, #tpu.memory_space<vmem_shared>> -> memref<128x128xf32, #tpu.memory_space<vmem_shared>>
      %dma_start3A_39 = arith.constant 0 : i32
      %dma_start3A_40 = tpu.memref_slice %arg9[%add3A_26, %dma_start3A_39] : memref<10240x128xf32, #tpu.memory_space<vmem_shared>> -> memref<128x128xf32, #tpu.memory_space<vmem_shared>>
      tpu.enqueue_dma source(%arg8 : memref<128x128xf32, #tpu.memory_space<vmem>>) target(%dma_start3A_40 : memref<128x128xf32, #tpu.memory_space<vmem_shared>>) target_semaphore(%run_scoped3A : memref<!tpu.dma_semaphore, #tpu.memory_space<semaphore_mem>>)
      %dma_wait3A = arith.constant 0 : i32
      %dma_wait3A_41 = tpu.memref_slice %arg9[%add3A_26, %dma_wait3A] : memref<10240x128xf32, #tpu.memory_space<vmem_shared>> -> memref<128x128xf32, #tpu.memory_space<vmem_shared>>
      %dma_wait3A_42 = arith.constant 0 : i32
      %dma_wait3A_43 = tpu.memref_slice %arg9[%add3A_26, %dma_wait3A_42] : memref<10240x128xf32, #tpu.memory_space<vmem_shared>> -> memref<128x128xf32, #tpu.memory_space<vmem_shared>>
      tpu.wait_dma2 semaphore(%run_scoped3A : memref<!tpu.dma_semaphore, #tpu.memory_space<semaphore_mem>>) src(%arg8 : memref<128x128xf32, #tpu.memory_space<vmem>>) dst(%dma_wait3A_43 : memref<128x128xf32, #tpu.memory_space<vmem_shared>>)
      tpu.yield
    }) : () -> ()
    %barrier3A = arith.constant 0 : index
    tpu.barrier barrier_id(%barrier3A)
    %scan3A_27 = arith.constant 0 : i32
    %scan3A_28 = arith.constant 0 : i32
    %scan3A_29 = arith.constant 79 : i32
    %scan3A_30 = arith.addi %scan3A_28, %scan3A_29 : i32
    %scan3A_31 = arith.constant 1 : i32
    scf.for %scan3A_38 = %scan3A_28 to %scan3A_30 step %scan3A_31  : i32 {
      "tpu.region"() ({
        %run_scoped3A = tpu.sem_alloc : memref<!tpu.dma_semaphore, #tpu.memory_space<semaphore_mem>>
        %dma_start3A_43 = arith.constant 0 : i32
        %dma_start3A_44 = tpu.memref_slice %arg3[%add3A, %scan3A_38, %dma_start3A_43] : memref<32x79x128xi32, #tpu.memory_space<hbm>> -> memref<1x1x128xi32, #tpu.memory_space<hbm>>
        %dma_start3A_45 = tpu.memref_squeeze %dma_start3A_44 : memref<1x1x128xi32, #tpu.memory_space<hbm>> -> memref<128xi32, #tpu.memory_space<hbm>>
        %dma_start3A_46 = arith.constant 0 : i32
        %dma_start3A_47 = tpu.memref_slice %arg3[%add3A, %scan3A_38, %dma_start3A_46] : memref<32x79x128xi32, #tpu.memory_space<hbm>> -> memref<1x1x128xi32, #tpu.memory_space<hbm>>
        %dma_start3A_48 = tpu.memref_squeeze %dma_start3A_47 : memref<1x1x128xi32, #tpu.memory_space<hbm>> -> memref<128xi32, #tpu.memory_space<hbm>>
        tpu.enqueue_dma source(%dma_start3A_48 : memref<128xi32, #tpu.memory_space<hbm>>) target(%arg6 : memref<128xi32, #tpu.memory_space<vmem>>) target_semaphore(%run_scoped3A : memref<!tpu.dma_semaphore, #tpu.memory_space<semaphore_mem>>)
        %dma_wait3A_49 = arith.constant 0 : i32
        %dma_wait3A_50 = tpu.memref_slice %arg3[%add3A, %scan3A_38, %dma_wait3A_49] : memref<32x79x128xi32, #tpu.memory_space<hbm>> -> memref<1x1x128xi32, #tpu.memory_space<hbm>>
        %dma_wait3A_51 = tpu.memref_squeeze %dma_wait3A_50 : memref<1x1x128xi32, #tpu.memory_space<hbm>> -> memref<128xi32, #tpu.memory_space<hbm>>
        %dma_wait3A_52 = arith.constant 0 : i32
        %dma_wait3A_53 = tpu.memref_slice %arg3[%add3A, %scan3A_38, %dma_wait3A_52] : memref<32x79x128xi32, #tpu.memory_space<hbm>> -> memref<1x1x128xi32, #tpu.memory_space<hbm>>
        %dma_wait3A_54 = tpu.memref_squeeze %dma_wait3A_53 : memref<1x1x128xi32, #tpu.memory_space<hbm>> -> memref<128xi32, #tpu.memory_space<hbm>>
        tpu.wait_dma2 semaphore(%run_scoped3A : memref<!tpu.dma_semaphore, #tpu.memory_space<semaphore_mem>>) src(%dma_wait3A_54 : memref<128xi32, #tpu.memory_space<hbm>>) dst(%arg6 : memref<128xi32, #tpu.memory_space<vmem>>)
        tpu.yield
      }) : () -> ()
      "tpu.region"() ({
        %run_scoped3A = tpu.sem_alloc : memref<!tpu.dma_semaphore, #tpu.memory_space<semaphore_mem>>
        %dma_start3A_43 = arith.constant 0 : i32
        %dma_start3A_44 = tpu.memref_slice %arg4[%add3A, %scan3A_38, %dma_start3A_43] : memref<32x79x128xi32, #tpu.memory_space<hbm>> -> memref<1x1x128xi32, #tpu.memory_space<hbm>>
        %dma_start3A_45 = tpu.memref_squeeze %dma_start3A_44 : memref<1x1x128xi32, #tpu.memory_space<hbm>> -> memref<128xi32, #tpu.memory_space<hbm>>
        %dma_start3A_46 = arith.constant 0 : i32
        %dma_start3A_47 = tpu.memref_slice %arg4[%add3A, %scan3A_38, %dma_start3A_46] : memref<32x79x128xi32, #tpu.memory_space<hbm>> -> memref<1x1x128xi32, #tpu.memory_space<hbm>>
        %dma_start3A_48 = tpu.memref_squeeze %dma_start3A_47 : memref<1x1x128xi32, #tpu.memory_space<hbm>> -> memref<128xi32, #tpu.memory_space<hbm>>
        tpu.enqueue_dma source(%dma_start3A_48 : memref<128xi32, #tpu.memory_space<hbm>>) target(%arg7 : memref<128xi32, #tpu.memory_space<vmem>>) target_semaphore(%run_scoped3A : memref<!tpu.dma_semaphore, #tpu.memory_space<semaphore_mem>>)
        %dma_wait3A_49 = arith.constant 0 : i32
        %dma_wait3A_50 = tpu.memref_slice %arg4[%add3A, %scan3A_38, %dma_wait3A_49] : memref<32x79x128xi32, #tpu.memory_space<hbm>> -> memref<1x1x128xi32, #tpu.memory_space<hbm>>
        %dma_wait3A_51 = tpu.memref_squeeze %dma_wait3A_50 : memref<1x1x128xi32, #tpu.memory_space<hbm>> -> memref<128xi32, #tpu.memory_space<hbm>>
        %dma_wait3A_52 = arith.constant 0 : i32
        %dma_wait3A_53 = tpu.memref_slice %arg4[%add3A, %scan3A_38, %dma_wait3A_52] : memref<32x79x128xi32, #tpu.memory_space<hbm>> -> memref<1x1x128xi32, #tpu.memory_space<hbm>>
        %dma_wait3A_54 = tpu.memref_squeeze %dma_wait3A_53 : memref<1x1x128xi32, #tpu.memory_space<hbm>> -> memref<128xi32, #tpu.memory_space<hbm>>
        tpu.wait_dma2 semaphore(%run_scoped3A : memref<!tpu.dma_semaphore, #tpu.memory_space<semaphore_mem>>) src(%dma_wait3A_54 : memref<128xi32, #tpu.memory_space<hbm>>) dst(%arg7 : memref<128xi32, #tpu.memory_space<vmem>>)
        tpu.yield
      }) : () -> ()
      %dma_start3A = arith.constant 0 : i32
      %dma_start3A_39 = arith.constant 0 : i32
      %dma_start3A_40 = tpu.memref_slice %arg2[%dma_start3A, %dma_start3A_39] : memref<10000x128xf32, #tpu.memory_space<hbm>> -> memref<10000x128xf32, #tpu.memory_space<hbm>>
      tpu.enqueue_indirect_dma source(%dma_start3A_40 : memref<10000x128xf32, #tpu.memory_space<hbm>>) target(%arg8 : memref<128x128xf32, #tpu.memory_space<vmem>>) offsets(%arg6 : memref<128xi32, #tpu.memory_space<vmem>>) semaphore(%arg10 : memref<!tpu.dma_semaphore, #tpu.memory_space<semaphore_mem>>)
      %dma_wait3A = arith.constant 0 : i32
      %dma_wait3A_41 = arith.constant 0 : i32
      %dma_wait3A_42 = tpu.memref_slice %arg2[%dma_wait3A, %dma_wait3A_41] : memref<10000x128xf32, #tpu.memory_space<hbm>> -> memref<10000x128xf32, #tpu.memory_space<hbm>>
      tpu.wait_indirect_dma semaphore(%arg10 : memref<!tpu.dma_semaphore, #tpu.memory_space<semaphore_mem>>) src(%dma_wait3A_42 : memref<10000x128xf32, #tpu.memory_space<hbm>>) dst(%arg8 : memref<128x128xf32, #tpu.memory_space<vmem>>)
      "tpu.region"() ({
        %run_scoped3A = tpu.sem_alloc : memref<!tpu.dma_semaphore, #tpu.memory_space<semaphore_mem>>
        %dma_start3A_43 = arith.constant 0 : i32
        %dma_start3A_44 = arith.constant 0 : i32
        %dma_start3A_45 = tpu.memref_slice %arg9[%dma_start3A_43, %dma_start3A_44] : memref<10240x128xf32, #tpu.memory_space<vmem_shared>> -> memref<10240x128xf32, #tpu.memory_space<vmem_shared>>
        tpu.enqueue_indirect_dma source(%arg8 : memref<128x128xf32, #tpu.memory_space<vmem>>) target(%dma_start3A_45 : memref<10240x128xf32, #tpu.memory_space<vmem_shared>>) offsets(%arg7 : memref<128xi32, #tpu.memory_space<vmem>>) semaphore(%run_scoped3A : memref<!tpu.dma_semaphore, #tpu.memory_space<semaphore_mem>>) {add = true}
        %dma_wait3A_46 = arith.constant 0 : i32
        %dma_wait3A_47 = arith.constant 0 : i32
        %dma_wait3A_48 = tpu.memref_slice %arg9[%dma_wait3A_46, %dma_wait3A_47] : memref<10240x128xf32, #tpu.memory_space<vmem_shared>> -> memref<10240x128xf32, #tpu.memory_space<vmem_shared>>
        tpu.wait_indirect_dma semaphore(%run_scoped3A : memref<!tpu.dma_semaphore, #tpu.memory_space<semaphore_mem>>) src(%arg8 : memref<128x128xf32, #tpu.memory_space<vmem>>) dst(%dma_wait3A_48 : memref<10240x128xf32, #tpu.memory_space<vmem_shared>>)
        tpu.yield
      }) : () -> ()
    }
    %scan3A_32 = arith.constant 79 : i32
    %barrier3A_33 = arith.constant 0 : index
    tpu.barrier barrier_id(%barrier3A_33)
    %mul3A_34 = arith.constant 640 : i32
    %mul3A_35 = arith.muli %arg1, %mul3A_34 : i32
    %mul3A_36 = arith.constant 640 : i32
    %mul3A_37 = arith.muli %arg1, %mul3A_36 : i32
    "tpu.region"() ({
      %run_scoped3A = tpu.sem_alloc : memref<!tpu.dma_semaphore, #tpu.memory_space<semaphore_mem>>
      %dma_start3A = arith.constant 0 : i32
      %dma_start3A_38 = tpu.memref_slice %arg5[%arg0, %mul3A_37, %dma_start3A] : memref<2x10240x128xf32, #tpu.memory_space<hbm>> -> memref<1x640x128xf32, #tpu.memory_space<hbm>>
      %dma_start3A_39 = tpu.memref_squeeze %dma_start3A_38 : memref<1x640x128xf32, #tpu.memory_space<hbm>> -> memref<640x128xf32, #tpu.memory_space<hbm>>
      %dma_start3A_40 = arith.constant 0 : i32
      %dma_start3A_41 = tpu.memref_slice %arg9[%mul3A_35, %dma_start3A_40] : memref<10240x128xf32, #tpu.memory_space<vmem_shared>> -> memref<640x128xf32, #tpu.memory_space<vmem_shared>>
      tpu.enqueue_dma source(%dma_start3A_41 : memref<640x128xf32, #tpu.memory_space<vmem_shared>>) target(%dma_start3A_39 : memref<640x128xf32, #tpu.memory_space<hbm>>) target_semaphore(%run_scoped3A : memref<!tpu.dma_semaphore, #tpu.memory_space<semaphore_mem>>)
      %dma_wait3A = arith.constant 0 : i32
      %dma_wait3A_42 = tpu.memref_slice %arg5[%arg0, %mul3A_37, %dma_wait3A] : memref<2x10240x128xf32, #tpu.memory_space<hbm>> -> memref<1x640x128xf32, #tpu.memory_space<hbm>>
      %dma_wait3A_43 = tpu.memref_squeeze %dma_wait3A_42 : memref<1x640x128xf32, #tpu.memory_space<hbm>> -> memref<640x128xf32, #tpu.memory_space<hbm>>
      %dma_wait3A_44 = arith.constant 0 : i32
      %dma_wait3A_45 = tpu.memref_slice %arg9[%mul3A_35, %dma_wait3A_44] : memref<10240x128xf32, #tpu.memory_space<vmem_shared>> -> memref<640x128xf32, #tpu.memory_space<vmem_shared>>
      tpu.wait_dma2 semaphore(%run_scoped3A : memref<!tpu.dma_semaphore, #tpu.memory_space<semaphore_mem>>) src(%dma_wait3A_45 : memref<640x128xf32, #tpu.memory_space<vmem_shared>>) dst(%dma_wait3A_43 : memref<640x128xf32, #tpu.memory_space<hbm>>)
      tpu.yield
    }) : () -> ()
    return
  }
}

module attributes {stable_mosaic.version = 14 : i64} {
  func.func @_tc_first_body(%arg0: i32, %arg1: memref<2000x128xf32, #tpu.memory_space<vmem>>, %arg2: memref<128x128xf32, #tpu.memory_space<vmem>>, %arg3: memref<2000x128xf32, #tpu.memory_space<vmem>>, %arg4: memref<2000x128xf32, #tpu.memory_space<vmem>>, %arg5: memref<2000x128xf32, #tpu.memory_space<vmem>>, %arg6: memref<2000x1xf32, #tpu.memory_space<vmem>>) attributes {dimension_semantics = [#tpu.dimension_semantics<arbitrary>], iteration_bounds = array<i64: 5>, scalar_prefetch = 0 : i64, scratch_operands = 0 : i64, tpu.core_type = #tpu.core_type<tc>, window_params = [{transform_indices = @transform_0, window_bounds = array<i64: 2000, 128>}, {pipeline_mode = #tpu.pipeline_mode<synchronous>, transform_indices = @transform_1, window_bounds = array<i64: 128, 128>}, {transform_indices = @transform_2, window_bounds = array<i64: 2000, 128>}, {transform_indices = @transform_3, window_bounds = array<i64: 2000, 128>}, {transform_indices = @transform_4, window_bounds = array<i64: 2000, 128>}, {transform_indices = @transform_5, window_bounds = array<i64: 2000, 1>}]} {
    %get3A = arith.constant 0 : index
    %get3A_0 = arith.constant 0 : index
    %get3A_1 = vector.load %arg3[%get3A, %get3A_0] : memref<2000x128xf32, #tpu.memory_space<vmem>>, vector<2000x1xf32>
    %get3A_2 = arith.constant 0 : index
    %get3A_3 = arith.constant 0 : index
    %get3A_4 = vector.load %arg4[%get3A_2, %get3A_3] : memref<2000x128xf32, #tpu.memory_space<vmem>>, vector<2000x1xf32>
    %add3A = arith.addf %get3A_1, %get3A_4 : vector<2000x1xf32>
    %gt3A = arith.constant 0.000000e+00 : f32
    %gt3A_5 = vector.broadcast %gt3A : f32 to vector<2000x1xf32>
    %gt3A_6 = arith.cmpf ogt, %add3A, %gt3A_5 : vector<2000x1xf32>
    %rsqrt3A = math.rsqrt %add3A : vector<2000x1xf32>
    %jit3A = arith.constant 0.000000e+00 : f32
    %broadcast_in_dim3A = vector.broadcast %jit3A : f32 to vector<2000x1xf32>
    %select_n3A = arith.select %gt3A_6, %rsqrt3A, %broadcast_in_dim3A : vector<2000x1xi1>, vector<2000x1xf32>
    %get3A_7 = arith.constant 0 : index
    %get3A_8 = arith.constant 0 : index
    %get3A_9 = vector.load %arg1[%get3A_7, %get3A_8] : memref<2000x128xf32, #tpu.memory_space<vmem>>, vector<2000x128xf32>
    %get3A_10 = arith.constant 0 : index
    %get3A_11 = arith.constant 0 : index
    %get3A_12 = vector.load %arg2[%get3A_10, %get3A_11] : memref<128x128xf32, #tpu.memory_space<vmem>>, vector<128x128xf32>
    %dot_general3A = arith.constant dense<0.000000e+00> : vector<2000x128xf32>
    %dot_general3A_13 = tpu.matmul %get3A_9, %get3A_12, %dot_general3A {dimension_numbers = #tpu.dot_dimension_numbers<[1], [0], [0], [1], [0, 0, 1, 1], [], []>, transpose_lhs_hint = false} : vector<2000x128xf32>, vector<128x128xf32>, vector<2000x128xf32> -> vector<2000x128xf32>
    %mul3A = vector.broadcast %select_n3A : vector<2000x1xf32> to vector<2000x128xf32>
    %mul3A_14 = arith.mulf %dot_general3A_13, %mul3A : vector<2000x128xf32>
    %swap3A = arith.constant 0 : index
    %swap3A_15 = arith.constant 0 : index
    %swap3A_16 = vector.load %arg5[%swap3A, %swap3A_15] : memref<2000x128xf32, #tpu.memory_space<vmem>>, vector<2000x128xf32>
    tpu.vector_store %arg5[%swap3A, %swap3A_15], %mul3A_14 {strides = array<i32>} : memref<2000x128xf32, #tpu.memory_space<vmem>>, vector<2000x128xf32>,
    %swap3A_17 = arith.constant 0 : index
    %swap3A_18 = arith.constant 0 : index
    %swap3A_19 = vector.load %arg6[%swap3A_17, %swap3A_18] : memref<2000x1xf32, #tpu.memory_space<vmem>>, vector<2000x1xf32>
    tpu.vector_store %arg6[%swap3A_17, %swap3A_18], %select_n3A {strides = array<i32>} : memref<2000x1xf32, #tpu.memory_space<vmem>>, vector<2000x1xf32>,
    return
  }
  func.func @transform_0(%arg0: i32) -> (i32, i32) {
    %c0_i32 = arith.constant 0 : i32
    %c0_i32_0 = arith.constant 0 : i32
    return %arg0, %c0_i32 : i32, i32
  }
  func.func @transform_1(%arg0: i32) -> (i32, i32) {
    %c0_i32 = arith.constant 0 : i32
    %c0_i32_0 = arith.constant 0 : i32
    %c0_i32_1 = arith.constant 0 : i32
    return %c0_i32, %c0_i32_0 : i32, i32
  }
  func.func @transform_2(%arg0: i32) -> (i32, i32) {
    %c0_i32 = arith.constant 0 : i32
    %c0_i32_0 = arith.constant 0 : i32
    return %arg0, %c0_i32 : i32, i32
  }
  func.func @transform_3(%arg0: i32) -> (i32, i32) {
    %c0_i32 = arith.constant 0 : i32
    %c0_i32_0 = arith.constant 0 : i32
    return %arg0, %c0_i32 : i32, i32
  }
  func.func @transform_4(%arg0: i32) -> (i32, i32) {
    %c0_i32 = arith.constant 0 : i32
    %c0_i32_0 = arith.constant 0 : i32
    return %arg0, %c0_i32 : i32, i32
  }
  func.func @transform_5(%arg0: i32) -> (i32, i32) {
    %c0_i32 = arith.constant 0 : i32
    %c0_i32_0 = arith.constant 0 : i32
    return %arg0, %c0_i32 : i32, i32
  }
}

module attributes {stable_mosaic.version = 14 : i64} {
  func.func @_tc_last_body(%arg0: i32, %arg1: memref<2000x128xf32, #tpu.memory_space<vmem>>, %arg2: memref<2000x128xf32, #tpu.memory_space<vmem>>, %arg3: memref<2000x1xf32, #tpu.memory_space<vmem>>, %arg4: memref<2000x128xf32, #tpu.memory_space<vmem>>) attributes {dimension_semantics = [#tpu.dimension_semantics<arbitrary>], iteration_bounds = array<i64: 5>, scalar_prefetch = 0 : i64, scratch_operands = 0 : i64, tpu.core_type = #tpu.core_type<tc>, window_params = [{transform_indices = @transform_0, window_bounds = array<i64: 2000, 128>}, {transform_indices = @transform_1, window_bounds = array<i64: 2000, 128>}, {transform_indices = @transform_2, window_bounds = array<i64: 2000, 1>}, {transform_indices = @transform_3, window_bounds = array<i64: 2000, 128>}]} {
    %get3A = arith.constant 0 : index
    %get3A_0 = arith.constant 0 : index
    %get3A_1 = vector.load %arg1[%get3A, %get3A_0] : memref<2000x128xf32, #tpu.memory_space<vmem>>, vector<2000x128xf32>
    %get3A_2 = arith.constant 0 : index
    %get3A_3 = arith.constant 0 : index
    %get3A_4 = vector.load %arg2[%get3A_2, %get3A_3] : memref<2000x128xf32, #tpu.memory_space<vmem>>, vector<2000x128xf32>
    %add3A = arith.addf %get3A_1, %get3A_4 : vector<2000x128xf32>
    %get3A_5 = arith.constant 0 : index
    %get3A_6 = arith.constant 0 : index
    %get3A_7 = vector.load %arg3[%get3A_5, %get3A_6] : memref<2000x1xf32, #tpu.memory_space<vmem>>, vector<2000x1xf32>
    %mul3A = vector.broadcast %get3A_7 : vector<2000x1xf32> to vector<2000x128xf32>
    %mul3A_8 = arith.mulf %add3A, %mul3A : vector<2000x128xf32>
    %swap3A = arith.constant 0 : index
    %swap3A_9 = arith.constant 0 : index
    %swap3A_10 = vector.load %arg4[%swap3A, %swap3A_9] : memref<2000x128xf32, #tpu.memory_space<vmem>>, vector<2000x128xf32>
    tpu.vector_store %arg4[%swap3A, %swap3A_9], %mul3A_8 {strides = array<i32>} : memref<2000x128xf32, #tpu.memory_space<vmem>>, vector<2000x128xf32>,
    return
  }
  func.func @transform_0(%arg0: i32) -> (i32, i32) {
    %c0_i32 = arith.constant 0 : i32
    %c0_i32_0 = arith.constant 0 : i32
    return %arg0, %c0_i32 : i32, i32
  }
  func.func @transform_1(%arg0: i32) -> (i32, i32) {
    %c0_i32 = arith.constant 0 : i32
    %c0_i32_0 = arith.constant 0 : i32
    return %arg0, %c0_i32 : i32, i32
  }
  func.func @transform_2(%arg0: i32) -> (i32, i32) {
    %c0_i32 = arith.constant 0 : i32
    %c0_i32_0 = arith.constant 0 : i32
    return %arg0, %c0_i32 : i32, i32
  }
  func.func @transform_3(%arg0: i32) -> (i32, i32) {
    %c0_i32 = arith.constant 0 : i32
    %c0_i32_0 = arith.constant 0 : i32
    return %arg0, %c0_i32 : i32, i32
  }
}

module attributes {stable_mosaic.version = 14 : i64} {
  func.func @_tc_mid_body(%arg0: i32, %arg1: memref<2000x128xf32, #tpu.memory_space<vmem>>, %arg2: memref<2000x128xf32, #tpu.memory_space<vmem>>, %arg3: memref<2000x1xf32, #tpu.memory_space<vmem>>, %arg4: memref<128x128xf32, #tpu.memory_space<vmem>>, %arg5: memref<2000x128xf32, #tpu.memory_space<vmem>>) attributes {dimension_semantics = [#tpu.dimension_semantics<arbitrary>], iteration_bounds = array<i64: 5>, scalar_prefetch = 0 : i64, scratch_operands = 0 : i64, tpu.core_type = #tpu.core_type<tc>, window_params = [{transform_indices = @transform_0, window_bounds = array<i64: 2000, 128>}, {transform_indices = @transform_1, window_bounds = array<i64: 2000, 128>}, {transform_indices = @transform_2, window_bounds = array<i64: 2000, 1>}, {pipeline_mode = #tpu.pipeline_mode<synchronous>, transform_indices = @transform_3, window_bounds = array<i64: 128, 128>}, {transform_indices = @transform_4, window_bounds = array<i64: 2000, 128>}]} {
    %get3A = arith.constant 0 : index
    %get3A_0 = arith.constant 0 : index
    %get3A_1 = vector.load %arg3[%get3A, %get3A_0] : memref<2000x1xf32, #tpu.memory_space<vmem>>, vector<2000x1xf32>
    %get3A_2 = arith.constant 0 : index
    %get3A_3 = arith.constant 0 : index
    %get3A_4 = vector.load %arg1[%get3A_2, %get3A_3] : memref<2000x128xf32, #tpu.memory_space<vmem>>, vector<2000x128xf32>
    %get3A_5 = arith.constant 0 : index
    %get3A_6 = arith.constant 0 : index
    %get3A_7 = vector.load %arg2[%get3A_5, %get3A_6] : memref<2000x128xf32, #tpu.memory_space<vmem>>, vector<2000x128xf32>
    %add3A = arith.addf %get3A_4, %get3A_7 : vector<2000x128xf32>
    %mul3A = vector.broadcast %get3A_1 : vector<2000x1xf32> to vector<2000x128xf32>
    %mul3A_8 = arith.mulf %add3A, %mul3A : vector<2000x128xf32>
    %max3A = arith.constant 0.000000e+00 : f32
    %max3A_9 = vector.broadcast %max3A : f32 to vector<2000x128xf32>
    %max3A_10 = arith.maximumf %mul3A_8, %max3A_9 : vector<2000x128xf32>
    %get3A_11 = arith.constant 0 : index
    %get3A_12 = arith.constant 0 : index
    %get3A_13 = vector.load %arg4[%get3A_11, %get3A_12] : memref<128x128xf32, #tpu.memory_space<vmem>>, vector<128x128xf32>
    %dot_general3A = arith.constant dense<0.000000e+00> : vector<2000x128xf32>
    %dot_general3A_14 = tpu.matmul %max3A_10, %get3A_13, %dot_general3A {dimension_numbers = #tpu.dot_dimension_numbers<[1], [0], [0], [1], [0, 0, 1, 1], [], []>, transpose_lhs_hint = false} : vector<2000x128xf32>, vector<128x128xf32>, vector<2000x128xf32> -> vector<2000x128xf32>
    %mul3A_15 = vector.broadcast %get3A_1 : vector<2000x1xf32> to vector<2000x128xf32>
    %mul3A_16 = arith.mulf %dot_general3A_14, %mul3A_15 : vector<2000x128xf32>
    %swap3A = arith.constant 0 : index
    %swap3A_17 = arith.constant 0 : index
    %swap3A_18 = vector.load %arg5[%swap3A, %swap3A_17] : memref<2000x128xf32, #tpu.memory_space<vmem>>, vector<2000x128xf32>
    tpu.vector_store %arg5[%swap3A, %swap3A_17], %mul3A_16 {strides = array<i32>} : memref<2000x128xf32, #tpu.memory_space<vmem>>, vector<2000x128xf32>,
    return
  }
  func.func @transform_0(%arg0: i32) -> (i32, i32) {
    %c0_i32 = arith.constant 0 : i32
    %c0_i32_0 = arith.constant 0 : i32
    return %arg0, %c0_i32 : i32, i32
  }
  func.func @transform_1(%arg0: i32) -> (i32, i32) {
    %c0_i32 = arith.constant 0 : i32
    %c0_i32_0 = arith.constant 0 : i32
    return %arg0, %c0_i32 : i32, i32
  }
  func.func @transform_2(%arg0: i32) -> (i32, i32) {
    %c0_i32 = arith.constant 0 : i32
    %c0_i32_0 = arith.constant 0 : i32
    return %arg0, %c0_i32 : i32, i32
  }
  func.func @transform_3(%arg0: i32) -> (i32, i32) {
    %c0_i32 = arith.constant 0 : i32
    %c0_i32_0 = arith.constant 0 : i32
    %c0_i32_1 = arith.constant 0 : i32
    return %c0_i32, %c0_i32_0 : i32, i32
  }
  func.func @transform_4(%arg0: i32) -> (i32, i32) {
    %c0_i32 = arith.constant 0 : i32
    %c0_i32_0 = arith.constant 0 : i32
    return %arg0, %c0_i32 : i32, i32
  }
}

</mosaic_0001>

<sc_bundles>
// kernel: kernel.10.cloned.1.call-start
scs
__scs_entry_jumppad:
0x0: {  	(pc) =	sbr.rel $0x88, $3  }
0x1: {  	(tag) =	ssettag $0x0;
	lr =	simm.s32 $0x1  }
0x2: {  	[smem:$0x3F9C] =	sst lr;
	_ =	strace $0xD0000000  }
0x3: {  	_ = 	snop  }
0x4: {  	_ = 	snop  }
0x5: {  	_ = 	snop  }
0x6: {  	_ = 	snop  }
0x7: {  	_ = 	snop  }
__scs_overlays_trampoline_lowered:
0x8: {  	[smem:$0x3FAB] =	sst s0  }
0x9: {  	[smem:$0x3FAC] =	sst s1  }
0xa: {  	[smem:$0x3FAD] =	sst s2  }
0xb: {  	[smem:$0x3FAE] =	sst s3  }
0xc: {  	[smem:$0x3FAF] =	sst s4  }
0xd: {  	[smem:$0x3FB0] =	sst s5  }
0xe: {  	[smem:$0x3FB1] =	sst s6  }
0xf: {  	[smem:$0x3FB2] =	sst s7  }
0x10: {  	[smem:$0x3FB3] =	sst s8  }
0x11: {  	[smem:$0x3FB4] =	sst s9;
	s0 =	simm.s32 @!p0 $0x0  }
0x12: {  	s1 =	sld [smem:$0x3F9A];
	s0 =	simm.s32 @p0 $0x1  }
0x13: {  	[smem:$0x3FB5] =	sst s0;
	s0 =	simm.s32 @!p1 $0x0  }
0x14: {  	s2 =	sld [smem:$0x3F99];
	s0 =	simm.s32 @p1 $0x1  }
0x15: {  	[smem:$0x3FB6] =	sst s0;
	s0 =	simm.s32 @!p2 $0x0  }
0x16: {  	s3 =	sld [smem:$0x3FDB];
	s0 =	simm.s32 @p2 $0x1  }
0x17: {  	s4 =	simm.s32 $0x1BF5;
	[smem:$0x3FB8] =	sst s0  }
0x18: {  	s0 =	sld [smem:$0x3F9B];
	_ =	swait.ge [sflag:s4], $0x0  }
0x19: {  	s7 =	sld [smem:$0x3F9C]  }
0x1a: {  	s8 =	sadd.s32 $0xFFFFE003, lr  }
0x1b: {  	s9 =	sadd.s32 $0xFFFFFEF7, lr;
	s5 =	simm.s32 $0xFFFFFFFF;
	p2 =	slt.u32 s8, $0xFFFFF086  }
0x1c: {  	p1 =	slt.u32 s9, $0xF7A;
	s5 =	simm.s32 @!p2 $0x0  }
0x1d: {  	s5 =	simm.s32 @p1 $0x1;
	p0 =	seq.s32 s7, s2  }
0x1e: {  	s7 =	smul.u32 @!p0 $0xF7A, s2;
	p2 =	seq.s32 @!p0 s5, $0x0  }
0x1f: {  	s9 =	smul.u32 $0xF7A, s1;
	s8 =	simm.s32 @!p0 $0x1BF5;
	p2 =	por !p2, p0  }
0x20: {  	[sflag:s8] =	ssyncset.s32 @!p0 $0xFFFFF086;
	s6 =	sadd.s32 @!p0 s3, s7;
	s7 =	simm.s32 @!p0 $0x108  }
0x21: {  	s3 =	sadd.s32 s3, s9;
	s6 =	sadd.s32 @!p0 $0x88, s6;
	s7 =	simm.s32 @p2 $0x1082  }
0x22: {  	[simem:s7], [sflag:s8] =	dma.local @!p0 [hbm:s6], $0xF7A  }
0x23: {  	s9 =	sor.u32 $0xD0000000, s2;
	s6 =	simm.s32 $0x108;
	_ =	swait.ge @!p0 [sflag:s8], $0x0  }
0x24: {  	s3 =	sadd.s32 $0x88, s3;
	s6 =	simm.s32 @!p1 $0x1082;
	[sflag:s4] =	ssyncset.s32 $0xFFFFF086  }
0x25: {  	[simem:s6], [sflag:s4] =	dma.local [hbm:s3], $0xF7A  }
0x26: {  	[smem:$0x3F9C] =	sst s1;
	(tag) =	ssettag s2;
	_ =	strace s9  }
0x27: {  	s1 =	sld [smem:$0x3FAC]  }
0x28: {  	s2 =	sld [smem:$0x3FAD]  }
0x29: {  	s4 =	sld [smem:$0x3FAF]  }
0x2a: {  	p0 =	seq.s32 s5, $0x0;
	s5 =	sld [smem:$0x3FB0]  }
0x2b: {  	s6 =	sld [smem:$0x3FB1]  }
0x2c: {  	s7 =	sld [smem:$0x3FB2]  }
0x2d: {  	s3 =	simm.s32 $0x108;
	s8 =	sld [smem:$0x3FB3]  }
0x2e: {  	s3 =	simm.s32 @!p0 $0x1082;
	s9 =	sld [smem:$0x3FB4]  }
0x2f: {  	lr =	sadd.s32 s0, s3;
	s0 =	sld [smem:$0x3FAB]  }
0x30: {  	s3 =	sld [smem:$0x3FAE]  }
0x31: {  	[smem:$0x3FB7] =	sst s10  }
0x32: {  	s10 =	sld [smem:$0x3FB5];
	_ =	sdelay $0x3  }
0x33: {  	p0 =	seq.s32 s10, $0x1;
	s10 =	sld [smem:$0x3FB7];
	_ =	sdelay $0x3  }
0x34: {  	[smem:$0x3FB7] =	sst s10  }
0x35: {  	s10 =	sld [smem:$0x3FB6];
	_ =	sdelay $0x3  }
0x36: {  	p1 =	seq.s32 s10, $0x1;
	s10 =	sld [smem:$0x3FB7];
	_ =	sdelay $0x3  }
0x37: {  	[smem:$0x3FB7] =	sst s10  }
0x38: {  	s10 =	sld [smem:$0x3FB8]  }
0x39: {  	_ = 	snop;
	(pc) =	sbr.ind lr, $3  }
0x3a: {  	_ = 	snop  }
0x3b: {  	_ = 	snop  }
0x3c: {  	p2 =	seq.s32 s10, $0x1;
	s10 =	sld [smem:$0x3FB7]  }
0x3d: {  	_ =	shalt  }
0x3e: {  	_ =	shalt  }
0x3f: {  	_ =	shalt  }
0x40: {  	_ =	shalt  }
0x41: {  	_ =	shalt  }
0x42: {  	_ =	shalt  }
0x43: {  	_ =	shalt  }
0x44: {  	_ =	shalt  }
0x45: {  	_ =	shalt  }
0x46: {  	_ =	shalt  }
0x47: {  	_ =	shalt  }
0x48: {  	_ =	shalt  }
0x49: {  	_ =	shalt  }
0x4a: {  	_ =	shalt  }
0x4b: {  	_ =	shalt  }
0x4c: {  	_ =	shalt  }
0x4d: {  	_ =	shalt  }
0x4e: {  	_ =	shalt  }
0x4f: {  	_ =	shalt  }
0x50: {  	_ =	shalt  }
0x51: {  	_ =	shalt  }
0x52: {  	_ =	shalt  }
0x53: {  	_ =	shalt  }
0x54: {  	_ =	shalt  }
0x55: {  	_ =	shalt  }
0x56: {  	_ =	shalt  }
0x57: {  	_ =	shalt  }
0x58: {  	_ =	shalt  }
0x59: {  	_ =	shalt  }
0x5a: {  	_ =	shalt  }
0x5b: {  	_ =	shalt  }
0x5c: {  	_ =	shalt  }
0x5d: {  	_ =	shalt  }
0x5e: {  	_ =	shalt  }
0x5f: {  	_ =	shalt  }
0x60: {  	_ =	shalt  }
0x61: {  	_ =	shalt  }
0x62: {  	_ =	shalt  }
0x63: {  	_ =	shalt  }
0x64: {  	_ =	shalt  }
0x65: {  	_ =	shalt  }
0x66: {  	_ =	shalt  }
0x67: {  	_ =	shalt  }
0x68: {  	_ =	shalt  }
0x69: {  	_ =	shalt  }
0x6a: {  	_ =	shalt  }
0x6b: {  	_ =	shalt  }
0x6c: {  	_ =	shalt  }
0x6d: {  	_ =	shalt  }
0x6e: {  	_ =	shalt  }
0x6f: {  	_ =	shalt  }
0x70: {  	_ =	shalt  }
0x71: {  	_ =	shalt  }
0x72: {  	_ =	shalt  }
0x73: {  	_ =	shalt  }
0x74: {  	_ =	shalt  }
0x75: {  	_ =	shalt  }
0x76: {  	_ =	shalt  }
0x77: {  	_ =	shalt  }
0x78: {  	_ =	shalt  }
0x79: {  	_ =	shalt  }
0x7a: {  	_ =	shalt  }
0x7b: {  	_ =	shalt  }
0x7c: {  	_ =	shalt  }
0x7d: {  	_ =	shalt  }
0x7e: {  	_ =	shalt  }
0x7f: {  	_ =	shalt  }
0x80: {  	_ =	shalt  }
0x81: {  	_ =	shalt  }
0x82: {  	_ =	shalt  }
0x83: {  	_ =	shalt  }
0x84: {  	_ =	shalt  }
0x85: {  	_ =	shalt  }
0x86: {  	_ =	shalt  }
0x87: {  	_ =	shalt  }
.Lfunc_end0:
.L_simem_size_0:
called_computation_lowered:
.L_overlay_start_0:
0x88: {  	s2 =	sld [smem:$0x3FD9]  }
0x89: {  	s3 =	sld [smem:$0x3FFE];
	_ =	sdelay $0x1  }
0x8a: {  	s1 =	srdreg.scid  }
0x8b: {  	s0 =	sand.u32 $0x1, s1  }
0x8c: {  	s16 =	sshll.u32 s0, $0xA;
	s2 =	sadd.s32 s3, s2  }
0x8d: {  	s2 =	sadd.s32 s2, s16  }
0x8e: {  	[smem:$0x3FC3] =	sst s2  }
0x8f: {  	_ = 	snop  }
0x90: {  	(tm) =	ssettm $0x1  }
0x91: {  	s17 =	sld [smem:$0x3FFB];
	_ =	sdelay $0x3  }
0x92: {  	_ =	strace s17  }
0x93: {  	s2 =	sld [smem:$0x3FFC];
	_ =	sdelay $0x3  }
0x94: {  	_ =	strace s2  }
0x95: {  	s2 =	sld [smem:$0x3FFD];
	_ =	sdelay $0x3  }
0x96: {  	_ =	strace s2  }
0x97: {  	_ =	strace $0x8FFFFFFF  }
0x98: {  	s18 =	sld [smem:$0x3FDB];
	_ =	sdelay $0x1  }
0x99: {  	s19 =	simm.s32 $_scs_section_size  }
0x9a: {  	s4 =	simm.s32 $_size__tile_overlayer_lowered;
	s5 =	simm.s32 $_tile_overlayer_lowered  }
0x9b: {  	s22 =	simm.s32 $0x1BFF;
	s21 =	sshll.u32 s5, $0x1;
	s2 =	sadd.s32 s19, s18  }
0x9c: {  	s6 =	simm.s32 $0x0;
	s20 =	sshll.u32 s4, $0x1;
	s4 =	sadd.s32 s21, s2  }
0x9d: {  	[timem:s6], [sflag:s22] =	dma.local [hbm:s4], s20  }
0x9e: {  	_ =	swait.ge [sflag:s22], s20  }
0x9f: {  	s3 =	ssub.s32 $0x0, s20;
	[sflag:s22] =	ssyncset.done $0x0  }
0xa0: {  	[sflag:s22] =	ssyncadd.s32 s3;
	_ =	sdelay $0x1  }
0xa1: {  	s23 =	simm.s32 $0x1B8B  }
0xa2: {  	_ =	swait.ge [sflag:s23], $0x1  }
0xa3: {  	[sflag:s23] =	ssyncset.done $0x0  }
0xa4: {  	s25 =	simm.s32 $0x1B8E;
	s24 =	sld [smem:$0x3FFE];
	[sflag:s23] =	ssyncadd.s32 $0xFFFFFFFF  }
0xa5: {  	s26 =	simm.s32 $execute0_lowered;
	[smem:$0x3FD2] =	sst s25  }
0xa6: {  	s4 =	sshll.u32 s26, $0x1;
	_ =	strace $0x80000046;
	[dreg:$0x1] =	wrdreg $0xFFFFFFFF  }
0xa7: {  	s28 =	simm.s32 $_size_execute0_lowered;
	s2 =	sadd.s32 s2, s4;
	[dreg:$0x0] =	wrdreg $0x0  }
0xa8: {  	s4 =	sshll.u32 s28, $0x1;
	[dreg:$0x2] =	wrdreg s2  }
0xa9: {  	[dreg:$0x3] =	wrdreg s4  }
0xaa: {  	[dreg:$0x4] =	wrdreg $0xC0  }
0xab: {  	_ =	task [dreg:s6], $0x5FFFF  }
0xac: {  	[dreg:$0x1] =	wrdreg $0xFFFFFFFF  }
0xad: {  	[dreg:$0x0] =	wrdreg $0x60  }
0xae: {  	[dreg:$0x2] =	wrdreg s24  }
0xaf: {  	[dreg:$0x3] =	wrdreg $0x40800  }
0xb0: {  	[dreg:$0x4] =	wrdreg $0x9  }
0xb1: {  	_ =	task.clear_ibuf [dreg:s6], $0x5FFFF;
	_ =	strace $0x90000046  }
0xb2: {  	s29 =	simm.s32 $0x9;
	_ =	strace $0x80000048  }
0xb3: {  	_ =	swait.ge [sflag:s29], $0x1  }
0xb4: {  	[sflag:s29] =	ssyncadd.s32 $0xFFFFFFFF  }
0xb5: {  	_ =	strace $0x90000048  }
0xb6: {  	_ =	sfence  }
0xb7: {  	s30 =	sld [smem:$0x0];
	_ =	sdelay $0x2  }
0xb8: {  	s31 =	sshll.u32 s1, $0xD;
	s1 =	sshrl.u32 s1, $0x2  }
0xb9: {  	s3 =	sand.u32 $0x4000, s31;
	s1 =	sadd.s32 s1, s30  }
0xba: {  	s0 =	sor.u32 s3, s0;
	s1 =	sshll.u32 s1, $0x11  }
0xbb: {  	s0 =	sor.u32 s1, s0  }
0xbc: {  	s0 =	sadd.s32 $0x8F2B, s0  }
0xbd: {  	[sflag:s0] =	ssyncadd.remote.s32 $0x1  }
0xbe: {  	_ =	sfence.sel $0xFFFF  }
0xbf: {  	[dreg:$0x0] =	wrdreg $0xFFFFFFFF;
	(pc) =	sbr.abs _section_cstart, $3  }
0xc0: {  	[dreg:$0x1] =	wrdreg $0xFFFFFFFF  }
0xc1: {  	_ =	task.clear_ibuf [dreg:s6], $0x2FFFF;
	_ =	strace $0x9FFFFFFF  }
0xc2: {  	(tm) =	ssettm $0x7FFFFFFF  }
0xc3: {  	_ =	shalt  }
tec
execute0_lowered:
.L_overlay_start_1:
0x0: {  	(tag) =	ssettag $0x1  }
0x1: {  	s5 =	rddreg [dreg:$0x0]  }
0x2: {  	s0 =	srdreg.scid;
	s2 =	rddreg [dreg:$0x1]  }
0x3: {  	s1 =	rddreg [dreg:$0x2];
	s3 =	simm.s32 $0x0;
	s6 =	sand.u32 $0x1, s0  }
0x4: {  	s13 =	simm.s32 $0x80;
	s0 =	stileid.u32;
	s4 =	smul.u32 $0x140000, s6  }
0x5: {  	s14 =	simm.s32 $0x1;
	[smem:$0x7FF] =	sst s3;
	s7 =	smul.u32 $0x14000, s0  }
0x6: {  	s17 =	simm.s32 $0x0;
	s8 =	smul.u32 $0x50000, s0;
	_ =	strace $0x80000047  }
0x7: {  	s29 =	ssub.s32 $0x2, s6;
	s6 =	sshll.u32 s6, $0x4;
	s15 =	sshll.u32 s0, $0x6  }
0x8: {  	s31 =	sshrl.u32 s29, $0x1;
	s10 =	sor.u32 s0, s6;
	s15 =	sor.u32 $0x1C01, s15  }
0x9: {  	s7 =	sadd.s32 s7, s4;
	s4 =	sadd.s32 $0x2600, s5;
	s30 =	sshrl.u32 s8, $0x2  }
0xa: {  	s12 =	ssub.s32 s29, s31;
	s10 =	smul.u32 $0x2800, s10;
	s7 =	sshrl.u32 s7, $0x3  }
0xb: {  	s12 =	smax.u32 s12, $0x1;
	s11 =	sadd.s32 s7, s5;
	s5 =	sadd.s32 s30, s2  }
0xc: {  	s6 =	sadd.s32 $0x4000, s5;
	s7 =	sadd.s32 $0x8000, s5;
	s8 =	sadd.s32 $0xC000, s5  }
0xd: {  	v0 =	vimm.f32 $0.0e+00;
	v1 =	vimm.f32 $1.000000000e+00;
	s9 =	sadd.s32 $0x10000, s5;
	s11 =	sadd.s32 $0xC600, s11;
	s16 =	sshrl.u32 s5, $0x3  }
.LBB2_1:
0xe: {  	s18 =	simm.s32 $0x0;
	s19 =	simm.s32 $0x200  }
.LBB2_2:
0xf: {  	p0 =	sne.s32 s19, $0xFE00;
	[tilespmem:s18+$0xF0] =	vst v0  }
0x10: {  	[tilespmem:s18+$0x80] =	vst v0  }
0x11: {  	[tilespmem:s18+$0x90] =	vst v0  }
.Ltmp0:
0x12: {  	[tilespmem:s18+$0xA0] =	vst v0;
	(pc) =	sbr.rel @p0 .LBB2_2-.Ltmp0, $4  }
0x13: {  	[tilespmem:s18+$0xB0] =	vst v0  }
0x14: {  	[tilespmem:s18+$0xC0] =	vst v0  }
0x15: {  	[tilespmem:s18+$0xD0] =	vst v0  }
0x16: {  	[tilespmem:s18+$0xE0] =	vst v0;
	s18 =	sshra.s32 s19, $0x2;
	s19 =	sadd.s32 $0x200, s19  }
0x17: {  	[tilespmem:s18+$0xF0] =	vst v0  }
0x18: {  	[tilespmem:s18+$0x80] =	vst v0  }
0x19: {  	[tilespmem:s18+$0x90] =	vst v0  }
0x1a: {  	[tilespmem:s18+$0xA0] =	vst v0  }
0x1b: {  	[tilespmem:s18+$0xB0] =	vst v0  }
0x1c: {  	[tilespmem:s18+$0xC0] =	vst v0  }
0x1d: {  	[tilespmem:s18+$0xD0] =	vst v0  }
0x1e: {  	[tilespmem:s18+$0xE0] =	vst v0  }
0x1f: {  	[spmem:s5] =	stream.linear.scatter [tilespmem:s13], [sflag:$0x1], $0x4000, $0x38;
	[tilespmem:$0x18080] =	vst v63  }
0x20: {  	_ =	swait.ge [sflag:s14], $0x4000  }
0x21: {  	[sflag:s14] =	ssyncset.done $0x0  }
0x22: {  	[sflag:s14] =	ssyncadd.s32 $0xFFFFC000  }
0x23: {  	[spmem:s6] =	stream.linear.scatter [tilespmem:s13], [sflag:$0x1], $0x4000, $0x38;
	[tilespmem:$0x18080] =	vst v63  }
0x24: {  	_ =	swait.ge [sflag:s14], $0x4000  }
0x25: {  	[sflag:s14] =	ssyncset.done $0x0  }
0x26: {  	[sflag:s14] =	ssyncadd.s32 $0xFFFFC000  }
0x27: {  	[spmem:s7] =	stream.linear.scatter [tilespmem:s13], [sflag:$0x1], $0x4000, $0x38;
	[tilespmem:$0x18080] =	vst v63  }
0x28: {  	_ =	swait.ge [sflag:s14], $0x4000  }
0x29: {  	[sflag:s14] =	ssyncset.done $0x0  }
0x2a: {  	[sflag:s14] =	ssyncadd.s32 $0xFFFFC000  }
0x2b: {  	[spmem:s8] =	stream.linear.scatter [tilespmem:s13], [sflag:$0x1], $0x4000, $0x38;
	[tilespmem:$0x18080] =	vst v63  }
0x2c: {  	_ =	swait.ge [sflag:s14], $0x4000  }
0x2d: {  	[sflag:s14] =	ssyncset.done $0x0  }
0x2e: {  	[sflag:s14] =	ssyncadd.s32 $0xFFFFC000  }
0x2f: {  	[spmem:s9] =	stream.linear.scatter [tilespmem:s13], [sflag:$0x1], $0x4000, $0x38;
	[tilespmem:$0x18080] =	vst v63  }
0x30: {  	_ =	swait.ge [sflag:s14], $0x4000  }
0x31: {  	[sflag:s14] =	ssyncset.done $0x0  }
0x32: {  	s18 =	simm.s32 $0x0;
	s19 =	simm.s32 $0x200;
	[sflag:s14] =	ssyncadd.s32 $0xFFFFC000  }
.LBB2_4:
0x33: {  	p0 =	sne.s32 s19, $0xFE00;
	[tilespmem:s18+$0xF0] =	vst v1  }
0x34: {  	[tilespmem:s18+$0x80] =	vst v1  }
0x35: {  	[tilespmem:s18+$0x90] =	vst v1  }
.Ltmp1:
0x36: {  	[tilespmem:s18+$0xA0] =	vst v1;
	(pc) =	sbr.rel @p0 .LBB2_4-.Ltmp1, $4  }
0x37: {  	[tilespmem:s18+$0xB0] =	vst v1  }
0x38: {  	[tilespmem:s18+$0xC0] =	vst v1  }
0x39: {  	[tilespmem:s18+$0xD0] =	vst v1  }
0x3a: {  	[tilespmem:s18+$0xE0] =	vst v1;
	s18 =	sshra.s32 s19, $0x2;
	s19 =	sadd.s32 $0x200, s19  }
0x3b: {  	[tilespmem:s18+$0xF0] =	vst v1  }
0x3c: {  	[tilespmem:s18+$0x80] =	vst v1  }
0x3d: {  	[tilespmem:s18+$0x90] =	vst v1  }
0x3e: {  	[tilespmem:s18+$0xA0] =	vst v1;
	s19 =	simm.s32 $0x0  }
0x3f: {  	[tilespmem:s18+$0xB0] =	vst v1;
	s20 =	sand.u32 $0x3C00, s19  }
0x40: {  	[tilespmem:s18+$0xC0] =	vst v1;
	s19 =	sand.u32 $0x380, s19;
	s20 =	sadd.s32 s10, s20  }
0x41: {  	[tilespmem:s18+$0xD0] =	vst v1;
	s19 =	sor.u32 s19, s20  }
0x42: {  	[tilespmem:s18+$0xE0] =	vst v1;
	s28 =	sshrl.u32 s19, $0x3  }
0x43: {  	[bflag:$0x0] =	sbarrier.arrive $0xFFFF;
	s18 =	sadd.s32 s4, s28  }
0x44: {  	[tilespmem:s3], [sflag:$0x1] =	stream.linear.gather [hbm4b:s18+s3], $0x80, $0x38;
	[tilespmem:$0x18080] =	vst v63  }
0x45: {  	_ =	swait.ge [sflag:s14], $0x80  }
0x46: {  	s29 =	simm.s32 $0x80;
	[sflag:s14] =	ssyncset.done $0x0  }
0x47: {  	s30 =	sand.u32 $0x3C00, s29;
	[sflag:s14] =	ssyncadd.s32 $0xFFFFFF80  }
0x48: {  	[spmem:s2] =	stream.indirect.scatter.add.f32 [tilespmem:s13], [sflag:$0x1], $0x80, s3, s13, $0xb8;
	[tilespmem:$0x18080] =	vst v63  }
0x49: {  	s31 =	sand.u32 $0x380, s29;
	s19 =	sadd.s32 s10, s30;
	_ =	swait.ge [sflag:s14], $0x4000  }
0x4a: {  	s19 =	sor.u32 s31, s19;
	s18 =	simm.s32 $0x100;
	[sflag:s14] =	ssyncset.done $0x0  }
.LBB2_6:
0x4b: {  	s19 =	sshrl.u32 s19, $0x3  }
0x4c: {  	[sflag:s14] =	ssyncadd.s32 $0xFFFFC000;
	s20 =	smov.u32 s18;
	s21 =	sadd.s32 $0x80, s18  }
0x4d: {  	p0 =	sne.s32 s18, $0x2700;
	s18 =	sadd.s32 s4, s19  }
0x4e: {  	[tilespmem:s3], [sflag:$0x1] =	stream.linear.gather [hbm4b:s18+s3], $0x80, $0x38;
	[tilespmem:$0x18080] =	vst v63  }
0x4f: {  	_ =	swait.ge [sflag:s14], $0x80  }
.Ltmp2:
0x50: {  	[sflag:s14] =	ssyncset.done $0x0;
	(pc) =	sbr.rel @p0 .LBB2_6-.Ltmp2, $4  }
0x51: {  	s18 =	sand.u32 $0x3C00, s20;
	[sflag:s14] =	ssyncadd.s32 $0xFFFFFF80  }
0x52: {  	[spmem:s2] =	stream.indirect.scatter.add.f32 [tilespmem:s13], [sflag:$0x1], $0x80, s3, s13, $0xb8;
	[tilespmem:$0x18080] =	vst v63  }
0x53: {  	s19 =	sand.u32 $0x380, s20;
	s18 =	sadd.s32 s10, s18;
	_ =	swait.ge [sflag:s14], $0x4000  }
0x54: {  	s19 =	sor.u32 s19, s18;
	s18 =	smov.u32 s21;
	[sflag:s14] =	ssyncset.done $0x0  }
0x55: {  	s18 =	sshrl.u32 s19, $0x3  }
0x56: {  	[sflag:s14] =	ssyncadd.s32 $0xFFFFC000;
	s18 =	sadd.s32 s4, s18  }
0x57: {  	[tilespmem:s3], [sflag:$0x1] =	stream.linear.gather [hbm4b:s18+s3], $0x80, $0x38;
	[tilespmem:$0x18080] =	vst v63  }
0x58: {  	_ =	swait.ge [sflag:s14], $0x80  }
0x59: {  	[sflag:s14] =	ssyncset.done $0x0  }
0x5a: {  	[sflag:s14] =	ssyncadd.s32 $0xFFFFFF80  }
0x5b: {  	[spmem:s2] =	stream.indirect.scatter.add.f32 [tilespmem:s13], [sflag:$0x1], $0x80, s3, s13, $0xb8;
	[tilespmem:$0x18080] =	vst v63  }
0x5c: {  	_ =	swait.ge [sflag:s14], $0x4000  }
0x5d: {  	s17 =	sadd.s32 $0x1, s17;
	[sflag:s14] =	ssyncset.done $0x0  }
0x5e: {  	p0 =	sne.s32 s17, s12;
	[sflag:s14] =	ssyncadd.s32 $0xFFFFC000  }
.Ltmp3:
0x5f: {  	[bflag:$0x0] =	sbarrier.arrive $0xFFFF;
	(pc) =	sbr.rel @p0 .LBB2_1-.Ltmp3, $4  }
0x60: {  	[hbm:s11], [sflag:s15] =	dma.local [spmem:s16], $0x2800  }
0x61: {  	_ =	swait.ge [sflag:s14], $0x2800  }
0x62: {  	[sflag:s14] =	ssyncset.done $0x0  }
0x63: {  	[sflag:s14] =	ssyncadd.s32 $0xFFFFD800  }
0x64: {  	_ =	sfence.sel $0x180000  }
0x65: {  	[bflag:$0x0] =	sbarrier.arrive $0xFFFF  }
0x66: {  	p0 =	sne.s32 s0, $0x0;
	_ =	strace $0x90000047  }
0x67: {  	s0 =	sadd.s32 @!p0 $0x100000, s1;
	[bflag:$0x2] =	sbarrier.arrive $0xFFFF  }
0x68: {  	[sflag:s0] =	ssyncadd.tile.s32 @!p0 $0x1;
	_ =	shalt  }
.Lfunc_end2:
_tile_overlayer_lowered:
.L_overlay_start_2:
0x69: {  	(tag) =	ssettag $0x2  }
0x6a: {  	s0 =	rddreg [dreg:$0x0];
	s2 =	stileid.u32  }
0x6b: {  	s1 =	rddreg [dreg:$0x1];
	p0 =	sne.s32 s2, $0x0  }
0x6c: {  	s3 =	rddreg [dreg:$0x2];
	[bflag:$0x3] =	sbarrier.arrive $0xFFFF;
	s2 =	simm.s32 @!p0 $0x1C01  }
0x6d: {  	[timem:s3], [sflag:s2] =	dma.local @!p0 [hbm:s0], s1  }
0x6e: {  	s0 =	simm.s32 @!p0 $0x1  }
0x6f: {  	_ =	swait.ge @!p0 [sflag:s0], s1  }
0x70: {  	s1 =	ssub.s32 @!p0 $0x0, s1;
	[sflag:s0] =	ssyncset.done @!p0 $0x0  }
0x71: {  	[sflag:s0] =	ssyncadd.s32 @!p0 s1  }
0x72: {  	[bflag:$0x3] =	sbarrier.arrive $0xFFFF  }
0x73: {  	_ =	shalt  }

// kernel: kernel.13.cloned.1.call-start
scs
__scs_entry_jumppad:
0x0: {  	(pc) =	sbr.rel $0x88, $3  }
0x1: {  	(tag) =	ssettag $0x0;
	lr =	simm.s32 $0x1  }
0x2: {  	[smem:$0x3F9C] =	sst lr;
	_ =	strace $0xD0000000  }
0x3: {  	_ = 	snop  }
0x4: {  	_ = 	snop  }
0x5: {  	_ = 	snop  }
0x6: {  	_ = 	snop  }
0x7: {  	_ = 	snop  }
__scs_overlays_trampoline_lowered:
0x8: {  	[smem:$0x3FAB] =	sst s0  }
0x9: {  	[smem:$0x3FAC] =	sst s1  }
0xa: {  	[smem:$0x3FAD] =	sst s2  }
0xb: {  	[smem:$0x3FAE] =	sst s3  }
0xc: {  	[smem:$0x3FAF] =	sst s4  }
0xd: {  	[smem:$0x3FB0] =	sst s5  }
0xe: {  	[smem:$0x3FB1] =	sst s6  }
0xf: {  	[smem:$0x3FB2] =	sst s7  }
0x10: {  	[smem:$0x3FB3] =	sst s8  }
0x11: {  	[smem:$0x3FB4] =	sst s9;
	s0 =	simm.s32 @!p0 $0x0  }
0x12: {  	s1 =	sld [smem:$0x3F9A];
	s0 =	simm.s32 @p0 $0x1  }
0x13: {  	[smem:$0x3FB5] =	sst s0;
	s0 =	simm.s32 @!p1 $0x0  }
0x14: {  	s2 =	sld [smem:$0x3F99];
	s0 =	simm.s32 @p1 $0x1  }
0x15: {  	[smem:$0x3FB6] =	sst s0;
	s0 =	simm.s32 @!p2 $0x0  }
0x16: {  	s3 =	sld [smem:$0x3FDB];
	s0 =	simm.s32 @p2 $0x1  }
0x17: {  	s4 =	simm.s32 $0x1BF5;
	[smem:$0x3FB8] =	sst s0  }
0x18: {  	s0 =	sld [smem:$0x3F9B];
	_ =	swait.ge [sflag:s4], $0x0  }
0x19: {  	s7 =	sld [smem:$0x3F9C]  }
0x1a: {  	s8 =	sadd.s32 $0xFFFFE003, lr  }
0x1b: {  	s9 =	sadd.s32 $0xFFFFFEF7, lr;
	s5 =	simm.s32 $0xFFFFFFFF;
	p2 =	slt.u32 s8, $0xFFFFF086  }
0x1c: {  	p1 =	slt.u32 s9, $0xF7A;
	s5 =	simm.s32 @!p2 $0x0  }
0x1d: {  	s5 =	simm.s32 @p1 $0x1;
	p0 =	seq.s32 s7, s2  }
0x1e: {  	s7 =	smul.u32 @!p0 $0xF7A, s2;
	p2 =	seq.s32 @!p0 s5, $0x0  }
0x1f: {  	s9 =	smul.u32 $0xF7A, s1;
	s8 =	simm.s32 @!p0 $0x1BF5;
	p2 =	por !p2, p0  }
0x20: {  	[sflag:s8] =	ssyncset.s32 @!p0 $0xFFFFF086;
	s6 =	sadd.s32 @!p0 s3, s7;
	s7 =	simm.s32 @!p0 $0x108  }
0x21: {  	s3 =	sadd.s32 s3, s9;
	s6 =	sadd.s32 @!p0 $0x88, s6;
	s7 =	simm.s32 @p2 $0x1082  }
0x22: {  	[simem:s7], [sflag:s8] =	dma.local @!p0 [hbm:s6], $0xF7A  }
0x23: {  	s9 =	sor.u32 $0xD0000000, s2;
	s6 =	simm.s32 $0x108;
	_ =	swait.ge @!p0 [sflag:s8], $0x0  }
0x24: {  	s3 =	sadd.s32 $0x88, s3;
	s6 =	simm.s32 @!p1 $0x1082;
	[sflag:s4] =	ssyncset.s32 $0xFFFFF086  }
0x25: {  	[simem:s6], [sflag:s4] =	dma.local [hbm:s3], $0xF7A  }
0x26: {  	[smem:$0x3F9C] =	sst s1;
	(tag) =	ssettag s2;
	_ =	strace s9  }
0x27: {  	s1 =	sld [smem:$0x3FAC]  }
0x28: {  	s2 =	sld [smem:$0x3FAD]  }
0x29: {  	s4 =	sld [smem:$0x3FAF]  }
0x2a: {  	p0 =	seq.s32 s5, $0x0;
	s5 =	sld [smem:$0x3FB0]  }
0x2b: {  	s6 =	sld [smem:$0x3FB1]  }
0x2c: {  	s7 =	sld [smem:$0x3FB2]  }
0x2d: {  	s3 =	simm.s32 $0x108;
	s8 =	sld [smem:$0x3FB3]  }
0x2e: {  	s3 =	simm.s32 @!p0 $0x1082;
	s9 =	sld [smem:$0x3FB4]  }
0x2f: {  	lr =	sadd.s32 s0, s3;
	s0 =	sld [smem:$0x3FAB]  }
0x30: {  	s3 =	sld [smem:$0x3FAE]  }
0x31: {  	[smem:$0x3FB7] =	sst s10  }
0x32: {  	s10 =	sld [smem:$0x3FB5];
	_ =	sdelay $0x3  }
0x33: {  	p0 =	seq.s32 s10, $0x1;
	s10 =	sld [smem:$0x3FB7];
	_ =	sdelay $0x3  }
0x34: {  	[smem:$0x3FB7] =	sst s10  }
0x35: {  	s10 =	sld [smem:$0x3FB6];
	_ =	sdelay $0x3  }
0x36: {  	p1 =	seq.s32 s10, $0x1;
	s10 =	sld [smem:$0x3FB7];
	_ =	sdelay $0x3  }
0x37: {  	[smem:$0x3FB7] =	sst s10  }
0x38: {  	s10 =	sld [smem:$0x3FB8]  }
0x39: {  	_ = 	snop;
	(pc) =	sbr.ind lr, $3  }
0x3a: {  	_ = 	snop  }
0x3b: {  	_ = 	snop  }
0x3c: {  	p2 =	seq.s32 s10, $0x1;
	s10 =	sld [smem:$0x3FB7]  }
0x3d: {  	_ =	shalt  }
0x3e: {  	_ =	shalt  }
0x3f: {  	_ =	shalt  }
0x40: {  	_ =	shalt  }
0x41: {  	_ =	shalt  }
0x42: {  	_ =	shalt  }
0x43: {  	_ =	shalt  }
0x44: {  	_ =	shalt  }
0x45: {  	_ =	shalt  }
0x46: {  	_ =	shalt  }
0x47: {  	_ =	shalt  }
0x48: {  	_ =	shalt  }
0x49: {  	_ =	shalt  }
0x4a: {  	_ =	shalt  }
0x4b: {  	_ =	shalt  }
0x4c: {  	_ =	shalt  }
0x4d: {  	_ =	shalt  }
0x4e: {  	_ =	shalt  }
0x4f: {  	_ =	shalt  }
0x50: {  	_ =	shalt  }
0x51: {  	_ =	shalt  }
0x52: {  	_ =	shalt  }
0x53: {  	_ =	shalt  }
0x54: {  	_ =	shalt  }
0x55: {  	_ =	shalt  }
0x56: {  	_ =	shalt  }
0x57: {  	_ =	shalt  }
0x58: {  	_ =	shalt  }
0x59: {  	_ =	shalt  }
0x5a: {  	_ =	shalt  }
0x5b: {  	_ =	shalt  }
0x5c: {  	_ =	shalt  }
0x5d: {  	_ =	shalt  }
0x5e: {  	_ =	shalt  }
0x5f: {  	_ =	shalt  }
0x60: {  	_ =	shalt  }
0x61: {  	_ =	shalt  }
0x62: {  	_ =	shalt  }
0x63: {  	_ =	shalt  }
0x64: {  	_ =	shalt  }
0x65: {  	_ =	shalt  }
0x66: {  	_ =	shalt  }
0x67: {  	_ =	shalt  }
0x68: {  	_ =	shalt  }
0x69: {  	_ =	shalt  }
0x6a: {  	_ =	shalt  }
0x6b: {  	_ =	shalt  }
0x6c: {  	_ =	shalt  }
0x6d: {  	_ =	shalt  }
0x6e: {  	_ =	shalt  }
0x6f: {  	_ =	shalt  }
0x70: {  	_ =	shalt  }
0x71: {  	_ =	shalt  }
0x72: {  	_ =	shalt  }
0x73: {  	_ =	shalt  }
0x74: {  	_ =	shalt  }
0x75: {  	_ =	shalt  }
0x76: {  	_ =	shalt  }
0x77: {  	_ =	shalt  }
0x78: {  	_ =	shalt  }
0x79: {  	_ =	shalt  }
0x7a: {  	_ =	shalt  }
0x7b: {  	_ =	shalt  }
0x7c: {  	_ =	shalt  }
0x7d: {  	_ =	shalt  }
0x7e: {  	_ =	shalt  }
0x7f: {  	_ =	shalt  }
0x80: {  	_ =	shalt  }
0x81: {  	_ =	shalt  }
0x82: {  	_ =	shalt  }
0x83: {  	_ =	shalt  }
0x84: {  	_ =	shalt  }
0x85: {  	_ =	shalt  }
0x86: {  	_ =	shalt  }
0x87: {  	_ =	shalt  }
.Lfunc_end0:
.L_simem_size_0:
called_computation.1_lowered:
.L_overlay_start_0:
0x88: {  	s2 =	sld [smem:$0x3FD9]  }
0x89: {  	s3 =	sld [smem:$0x3FFE];
	_ =	sdelay $0x1  }
0x8a: {  	s1 =	srdreg.scid  }
0x8b: {  	s0 =	sand.u32 $0x1, s1  }
0x8c: {  	s17 =	sshll.u32 s0, $0xA;
	s2 =	sadd.s32 s3, s2  }
0x8d: {  	s2 =	sadd.s32 s2, s17  }
0x8e: {  	[smem:$0x3FC3] =	sst s2  }
0x8f: {  	_ = 	snop  }
0x90: {  	s2 =	sld [smem:$0x3FD0];
	(tm) =	ssettm $0x1  }
0x91: {  	s18 =	sld [smem:$0x3FFB];
	_ =	sdelay $0x3  }
0x92: {  	_ =	strace s18  }
0x93: {  	s3 =	sld [smem:$0x3FFC];
	_ =	sdelay $0x3  }
0x94: {  	_ =	strace s3  }
0x95: {  	s3 =	sld [smem:$0x3FFD];
	_ =	sdelay $0x3  }
0x96: {  	_ =	strace s3  }
0x97: {  	_ =	strace $0x8FFFFFFF  }
0x98: {  	s19 =	sld [smem:$0x3FDB];
	_ =	sdelay $0x1  }
0x99: {  	s4 =	simm.s32 $_scs_section_size  }
0x9a: {  	s5 =	simm.s32 $_size__tile_overlayer_lowered;
	s6 =	simm.s32 $_tile_overlayer_lowered  }
0x9b: {  	s22 =	simm.s32 $0x1BFF;
	s21 =	sshll.u32 s6, $0x1;
	s3 =	sadd.s32 s4, s19  }
0x9c: {  	s7 =	simm.s32 $0x0;
	s20 =	sshll.u32 s5, $0x1;
	s5 =	sadd.s32 s21, s3  }
0x9d: {  	[timem:s7], [sflag:s22] =	dma.local [hbm:s5], s20  }
0x9e: {  	_ =	swait.ge [sflag:s22], s20  }
0x9f: {  	s4 =	ssub.s32 $0x0, s20;
	[sflag:s22] =	ssyncset.done $0x0  }
0xa0: {  	[sflag:s22] =	ssyncadd.s32 s4;
	_ =	sdelay $0x1  }
0xa1: {  	s23 =	simm.s32 $0x1B8B  }
0xa2: {  	_ =	swait.ge [sflag:s23], $0x1  }
0xa3: {  	[sflag:s23] =	ssyncset.done $0x0  }
0xa4: {  	s25 =	simm.s32 $0x1B8E;
	s24 =	sld [smem:$0x3FFE];
	[sflag:s23] =	ssyncadd.s32 $0xFFFFFFFF  }
0xa5: {  	s26 =	simm.s32 $execute0_lowered;
	[smem:$0x3FD2] =	sst s25  }
0xa6: {  	s5 =	sshll.u32 s26, $0x1;
	_ =	strace $0x80000049;
	[dreg:$0x1] =	wrdreg $0xFFFFFFFF  }
0xa7: {  	s28 =	simm.s32 $_size_execute0_lowered;
	s3 =	sadd.s32 s3, s5;
	[dreg:$0x0] =	wrdreg $0x0  }
0xa8: {  	s5 =	sshll.u32 s28, $0x1;
	[dreg:$0x2] =	wrdreg s3  }
0xa9: {  	[dreg:$0x3] =	wrdreg s5  }
0xaa: {  	[dreg:$0x4] =	wrdreg $0xC0  }
0xab: {  	_ =	task [dreg:s7], $0x5FFFF  }
0xac: {  	[dreg:$0x1] =	wrdreg $0xFFFFFFFF  }
0xad: {  	[dreg:$0x0] =	wrdreg $0x60  }
0xae: {  	[dreg:$0x2] =	wrdreg s2  }
0xaf: {  	[dreg:$0x3] =	wrdreg s24  }
0xb0: {  	[dreg:$0x4] =	wrdreg $0x41000  }
0xb1: {  	[dreg:$0x5] =	wrdreg $0x9  }
0xb2: {  	_ =	task.clear_ibuf [dreg:s7], $0x6FFFF;
	_ =	strace $0x90000049  }
0xb3: {  	s29 =	simm.s32 $0x9;
	_ =	strace $0x8000004B  }
0xb4: {  	_ =	swait.ge [sflag:s29], $0x1  }
0xb5: {  	[sflag:s29] =	ssyncadd.s32 $0xFFFFFFFF  }
0xb6: {  	_ =	strace $0x9000004B  }
0xb7: {  	_ =	sfence  }
0xb8: {  	s30 =	sld [smem:$0x0];
	_ =	sdelay $0x2  }
0xb9: {  	s31 =	sshll.u32 s1, $0xD;
	s1 =	sshrl.u32 s1, $0x2  }
0xba: {  	s3 =	sand.u32 $0x4000, s31;
	s1 =	sadd.s32 s1, s30  }
0xbb: {  	s0 =	sor.u32 s3, s0;
	s1 =	sshll.u32 s1, $0x11  }
0xbc: {  	s0 =	sor.u32 s1, s0  }
0xbd: {  	s0 =	sadd.s32 $0x8F2B, s0  }
0xbe: {  	[sflag:s0] =	ssyncadd.remote.s32 $0x1  }
0xbf: {  	_ =	sfence.sel $0xFFFF  }
0xc0: {  	[dreg:$0x0] =	wrdreg $0xFFFFFFFF;
	(pc) =	sbr.abs _section_cstart, $3  }
0xc1: {  	[dreg:$0x1] =	wrdreg $0xFFFFFFFF  }
0xc2: {  	_ =	task.clear_ibuf [dreg:s7], $0x2FFFF;
	_ =	strace $0x9FFFFFFF  }
0xc3: {  	(tm) =	ssettm $0x7FFFFFFF  }
tec
execute0_lowered:
.L_overlay_start_1:
0x0: {  	(tag) =	ssettag $0x1  }
0x1: {  	s0 =	rddreg [dreg:$0x0]  }
0x2: {  	s7 =	rddreg [dreg:$0x1]  }
0x3: {  	s1 =	srdreg.scid;
	s3 =	rddreg [dreg:$0x2]  }
0x4: {  	s2 =	stileid.u32;
	s4 =	simm.s32 $0x0;
	s15 =	simm.s32 $0x100  }
0x5: {  	s16 =	simm.s32 $0x2;
	s17 =	simm.s32 $0x80;
	s18 =	simm.s32 $0x1  }
0x6: {  	s8 =	sand.u32 $0x1, s1;
	s1 =	rddreg [dreg:$0x3];
	s6 =	smul.u32 $0x14000, s2  }
0x7: {  	s21 =	simm.s32 $0x0;
	[smem:$0x7FF] =	sst s4;
	s10 =	smul.u32 $0x50000, s2  }
0x8: {  	s19 =	sshll.u32 s2, $0x6;
	s5 =	smul.u32 $0x140000, s8;
	_ =	strace $0x8000004A  }
0x9: {  	s30 =	ssub.s32 $0x2, s8;
	s8 =	sshll.u32 s8, $0x4;
	s19 =	sor.u32 $0x1C02, s19  }
0xa: {  	s31 =	sshrl.u32 s30, $0x1;
	s10 =	sshrl.u32 s10, $0x2;
	s12 =	sor.u32 s2, s8  }
0xb: {  	s6 =	sadd.s32 s6, s5;
	s5 =	sadd.s32 $0x5C600, s7;
	s14 =	ssub.s32 s30, s31  }
0xc: {  	s12 =	smul.u32 $0x2800, s12;
	s9 =	sshrl.u32 s6, $0x3;
	s6 =	sadd.s32 $0x2600, s7  }
0xd: {  	s14 =	smax.u32 s14, $0x1;
	s13 =	sadd.s32 s9, s7;
	s7 =	sadd.s32 s10, s3  }
0xe: {  	s8 =	sadd.s32 $0x4000, s7;
	s9 =	sadd.s32 $0x8000, s7;
	s10 =	sadd.s32 $0xC000, s7  }
0xf: {  	v0 =	vimm.f32 $0.0e+00;
	s11 =	sadd.s32 $0x10000, s7;
	s13 =	sadd.s32 $0xC600, s13;
	s20 =	sshrl.u32 s7, $0x3  }
.LBB2_1:
0x10: {  	s22 =	simm.s32 $0x0;
	s23 =	simm.s32 $0x200  }
.LBB2_2:
0x11: {  	p0 =	sne.s32 s23, $0xFE00;
	[tilespmem:s22+$0x170] =	vst v0  }
0x12: {  	[tilespmem:s22+$0x100] =	vst v0  }
0x13: {  	[tilespmem:s22+$0x110] =	vst v0  }
.Ltmp0:
0x14: {  	[tilespmem:s22+$0x120] =	vst v0;
	(pc) =	sbr.rel @p0 .LBB2_2-.Ltmp0, $4  }
0x15: {  	[tilespmem:s22+$0x130] =	vst v0  }
0x16: {  	[tilespmem:s22+$0x140] =	vst v0  }
0x17: {  	[tilespmem:s22+$0x150] =	vst v0  }
0x18: {  	[tilespmem:s22+$0x160] =	vst v0;
	s22 =	sshra.s32 s23, $0x2;
	s23 =	sadd.s32 $0x200, s23  }
0x19: {  	[tilespmem:s22+$0x170] =	vst v0  }
0x1a: {  	[tilespmem:s22+$0x100] =	vst v0  }
0x1b: {  	[tilespmem:s22+$0x110] =	vst v0  }
0x1c: {  	[tilespmem:s22+$0x120] =	vst v0  }
0x1d: {  	[tilespmem:s22+$0x130] =	vst v0  }
0x1e: {  	[tilespmem:s22+$0x140] =	vst v0  }
0x1f: {  	[tilespmem:s22+$0x150] =	vst v0  }
0x20: {  	[tilespmem:s22+$0x160] =	vst v0  }
0x21: {  	[spmem:s7] =	stream.linear.scatter [tilespmem:s15], [sflag:$0x2], $0x4000, $0x38;
	[tilespmem:$0x18100] =	vst v63  }
0x22: {  	_ =	swait.ge [sflag:s16], $0x4000  }
0x23: {  	[sflag:s16] =	ssyncset.done $0x0  }
0x24: {  	[sflag:s16] =	ssyncadd.s32 $0xFFFFC000  }
0x25: {  	[spmem:s8] =	stream.linear.scatter [tilespmem:s15], [sflag:$0x2], $0x4000, $0x38;
	[tilespmem:$0x18100] =	vst v63  }
0x26: {  	_ =	swait.ge [sflag:s16], $0x4000  }
0x27: {  	[sflag:s16] =	ssyncset.done $0x0  }
0x28: {  	[sflag:s16] =	ssyncadd.s32 $0xFFFFC000  }
0x29: {  	[spmem:s9] =	stream.linear.scatter [tilespmem:s15], [sflag:$0x2], $0x4000, $0x38;
	[tilespmem:$0x18100] =	vst v63  }
0x2a: {  	_ =	swait.ge [sflag:s16], $0x4000  }
0x2b: {  	[sflag:s16] =	ssyncset.done $0x0  }
0x2c: {  	[sflag:s16] =	ssyncadd.s32 $0xFFFFC000  }
0x2d: {  	[spmem:s10] =	stream.linear.scatter [tilespmem:s15], [sflag:$0x2], $0x4000, $0x38;
	[tilespmem:$0x18100] =	vst v63  }
0x2e: {  	_ =	swait.ge [sflag:s16], $0x4000  }
0x2f: {  	s28 =	simm.s32 $0x0;
	[sflag:s16] =	ssyncset.done $0x0  }
0x30: {  	s23 =	sand.u32 $0x3C00, s28;
	[sflag:s16] =	ssyncadd.s32 $0xFFFFC000  }
0x31: {  	[spmem:s11] =	stream.linear.scatter [tilespmem:s15], [sflag:$0x2], $0x4000, $0x38;
	[tilespmem:$0x18100] =	vst v63  }
0x32: {  	s22 =	sand.u32 $0x380, s28;
	s23 =	sadd.s32 s12, s23;
	_ =	swait.ge [sflag:s16], $0x4000  }
0x33: {  	s22 =	sor.u32 s22, s23;
	[sflag:s16] =	ssyncset.done $0x0  }
0x34: {  	s22 =	sshrl.u32 s22, $0x3;
	[sflag:s16] =	ssyncadd.s32 $0xFFFFC000  }
0x35: {  	s29 =	sadd.s32 s5, s22;
	[bflag:$0x0] =	sbarrier.arrive $0xFFFF  }
0x36: {  	[tilespmem:s4], [sflag:$0x2] =	stream.linear.gather [hbm4b:s29+s4], $0x80, $0x38;
	[tilespmem:$0x18100] =	vst v63  }
0x37: {  	_ =	swait.ge [sflag:s16], $0x80  }
0x38: {  	[sflag:s16] =	ssyncset.done $0x0  }
0x39: {  	s22 =	sadd.s32 s6, s22;
	[sflag:s16] =	ssyncadd.s32 $0xFFFFFF80  }
0x3a: {  	[tilespmem:s17], [sflag:$0x2] =	stream.linear.gather [hbm4b:s22+s4], $0x80, $0x38;
	[tilespmem:$0x18100] =	vst v63  }
0x3b: {  	_ =	swait.ge [sflag:s16], $0x80  }
0x3c: {  	[sflag:s16] =	ssyncset.done $0x0  }
0x3d: {  	[sflag:s16] =	ssyncadd.s32 $0xFFFFFF80  }
0x3e: {  	[tilespmem:s15], [sflag:$0x1] =	stream.indirect.gather [hbm4b:s0+s17], $0x80, s4, s17, $0xb8;
	[tilespmem:$0x18100] =	vst v63  }
0x3f: {  	_ =	swait.ge [sflag:s18], $0x4000  }
0x40: {  	s30 =	simm.s32 $0x80;
	[sflag:s18] =	ssyncset.done $0x0  }
0x41: {  	s31 =	sand.u32 $0x3C00, s30;
	[sflag:s18] =	ssyncadd.s32 $0xFFFFC000  }
0x42: {  	[spmem:s3] =	stream.indirect.scatter.add.f32 [tilespmem:s15], [sflag:$0x2], $0x80, s17, s17, $0xb8;
	[tilespmem:$0x18100] =	vst v63  }
0x43: {  	s24 =	sand.u32 $0x380, s30;
	s23 =	sadd.s32 s12, s31;
	_ =	swait.ge [sflag:s16], $0x4000  }
0x44: {  	s23 =	sor.u32 s24, s23;
	s22 =	simm.s32 $0x100;
	[sflag:s16] =	ssyncset.done $0x0  }
.LBB2_4:
0x45: {  	s23 =	sshrl.u32 s23, $0x3  }
0x46: {  	[sflag:s16] =	ssyncadd.s32 $0xFFFFC000;
	s24 =	smov.u32 s22;
	s25 =	sadd.s32 $0x80, s22  }
0x47: {  	p0 =	sne.s32 s22, $0x2700;
	s22 =	sadd.s32 s5, s23  }
0x48: {  	[tilespmem:s4], [sflag:$0x2] =	stream.linear.gather [hbm4b:s22+s4], $0x80, $0x38;
	[tilespmem:$0x18100] =	vst v63  }
0x49: {  	_ =	swait.ge [sflag:s16], $0x80  }
0x4a: {  	[sflag:s16] =	ssyncset.done $0x0  }
0x4b: {  	s22 =	sadd.s32 s6, s23;
	[sflag:s16] =	ssyncadd.s32 $0xFFFFFF80  }
0x4c: {  	[tilespmem:s17], [sflag:$0x2] =	stream.linear.gather [hbm4b:s22+s4], $0x80, $0x38;
	[tilespmem:$0x18100] =	vst v63  }
0x4d: {  	_ =	swait.ge [sflag:s16], $0x80  }
0x4e: {  	[sflag:s16] =	ssyncset.done $0x0  }
0x4f: {  	[sflag:s16] =	ssyncadd.s32 $0xFFFFFF80  }
0x50: {  	[tilespmem:s15], [sflag:$0x1] =	stream.indirect.gather [hbm4b:s0+s17], $0x80, s4, s17, $0xb8;
	[tilespmem:$0x18100] =	vst v63  }
0x51: {  	_ =	swait.ge [sflag:s18], $0x4000  }
.Ltmp1:
0x52: {  	[sflag:s18] =	ssyncset.done $0x0;
	(pc) =	sbr.rel @p0 .LBB2_4-.Ltmp1, $4  }
0x53: {  	s22 =	sand.u32 $0x3C00, s24;
	[sflag:s18] =	ssyncadd.s32 $0xFFFFC000  }
0x54: {  	[spmem:s3] =	stream.indirect.scatter.add.f32 [tilespmem:s15], [sflag:$0x2], $0x80, s17, s17, $0xb8;
	[tilespmem:$0x18100] =	vst v63  }
0x55: {  	s23 =	sand.u32 $0x380, s24;
	s22 =	sadd.s32 s12, s22;
	_ =	swait.ge [sflag:s16], $0x4000  }
0x56: {  	s23 =	sor.u32 s23, s22;
	s22 =	smov.u32 s25;
	[sflag:s16] =	ssyncset.done $0x0  }
0x57: {  	s22 =	sshrl.u32 s23, $0x3  }
0x58: {  	[sflag:s16] =	ssyncadd.s32 $0xFFFFC000;
	s23 =	sadd.s32 s5, s22  }
0x59: {  	[tilespmem:s4], [sflag:$0x2] =	stream.linear.gather [hbm4b:s23+s4], $0x80, $0x38;
	[tilespmem:$0x18100] =	vst v63  }
0x5a: {  	_ =	swait.ge [sflag:s16], $0x80  }
0x5b: {  	[sflag:s16] =	ssyncset.done $0x0  }
0x5c: {  	s22 =	sadd.s32 s6, s22;
	[sflag:s16] =	ssyncadd.s32 $0xFFFFFF80  }
0x5d: {  	[tilespmem:s17], [sflag:$0x2] =	stream.linear.gather [hbm4b:s22+s4], $0x80, $0x38;
	[tilespmem:$0x18100] =	vst v63  }
0x5e: {  	_ =	swait.ge [sflag:s16], $0x80  }
0x5f: {  	[sflag:s16] =	ssyncset.done $0x0  }
0x60: {  	[sflag:s16] =	ssyncadd.s32 $0xFFFFFF80  }
0x61: {  	[tilespmem:s15], [sflag:$0x1] =	stream.indirect.gather [hbm4b:s0+s17], $0x80, s4, s17, $0xb8;
	[tilespmem:$0x18100] =	vst v63  }
0x62: {  	_ =	swait.ge [sflag:s18], $0x4000  }
0x63: {  	[sflag:s18] =	ssyncset.done $0x0  }
0x64: {  	[sflag:s18] =	ssyncadd.s32 $0xFFFFC000  }
0x65: {  	[spmem:s3] =	stream.indirect.scatter.add.f32 [tilespmem:s15], [sflag:$0x2], $0x80, s17, s17, $0xb8;
	[tilespmem:$0x18100] =	vst v63  }
0x66: {  	_ =	swait.ge [sflag:s16], $0x4000  }
0x67: {  	s21 =	sadd.s32 $0x1, s21;
	[sflag:s16] =	ssyncset.done $0x0  }
0x68: {  	p0 =	sne.s32 s21, s14;
	[sflag:s16] =	ssyncadd.s32 $0xFFFFC000  }
.Ltmp2:
0x69: {  	[bflag:$0x0] =	sbarrier.arrive $0xFFFF;
	(pc) =	sbr.rel @p0 .LBB2_1-.Ltmp2, $4  }
0x6a: {  	[hbm:s13], [sflag:s19] =	dma.local [spmem:s20], $0x2800  }
0x6b: {  	_ =	swait.ge [sflag:s16], $0x2800  }
0x6c: {  	[sflag:s16] =	ssyncset.done $0x0  }
0x6d: {  	[sflag:s16] =	ssyncadd.s32 $0xFFFFD800  }
0x6e: {  	_ =	sfence.sel $0x180000  }
0x6f: {  	[bflag:$0x0] =	sbarrier.arrive $0xFFFF  }
0x70: {  	p0 =	sne.s32 s2, $0x0;
	_ =	strace $0x9000004A  }
0x71: {  	s0 =	sadd.s32 @!p0 $0x100000, s1;
	[bflag:$0x2] =	sbarrier.arrive $0xFFFF  }
0x72: {  	[sflag:s0] =	ssyncadd.tile.s32 @!p0 $0x1;
	_ =	shalt  }
.Lfunc_end2:
_tile_overlayer_lowered:
.L_overlay_start_2:
0x73: {  	(tag) =	ssettag $0x2  }
0x74: {  	s0 =	rddreg [dreg:$0x0];
	s2 =	stileid.u32  }
0x75: {  	s1 =	rddreg [dreg:$0x1];
	p0 =	sne.s32 s2, $0x0  }
0x76: {  	s3 =	rddreg [dreg:$0x2];
	[bflag:$0x3] =	sbarrier.arrive $0xFFFF;
	s2 =	simm.s32 @!p0 $0x1C02  }
0x77: {  	[timem:s3], [sflag:s2] =	dma.local @!p0 [hbm:s0], s1  }
0x78: {  	s0 =	simm.s32 @!p0 $0x2  }
0x79: {  	_ =	swait.ge @!p0 [sflag:s0], s1  }
0x7a: {  	s1 =	ssub.s32 @!p0 $0x0, s1;
	[sflag:s0] =	ssyncset.done @!p0 $0x0  }
0x7b: {  	[sflag:s0] =	ssyncadd.s32 @!p0 s1  }
0x7c: {  	[bflag:$0x3] =	sbarrier.arrive $0xFFFF  }
0x7d: {  	_ =	shalt  }

// kernel: kernel.16.cloned.1.call-start
scs
__scs_entry_jumppad:
0x0: {  	(pc) =	sbr.rel $0x88, $3  }
0x1: {  	(tag) =	ssettag $0x0;
	lr =	simm.s32 $0x1  }
0x2: {  	[smem:$0x3F9C] =	sst lr;
	_ =	strace $0xD0000000  }
0x3: {  	_ = 	snop  }
0x4: {  	_ = 	snop  }
0x5: {  	_ = 	snop  }
0x6: {  	_ = 	snop  }
0x7: {  	_ = 	snop  }
__scs_overlays_trampoline_lowered:
0x8: {  	[smem:$0x3FAB] =	sst s0  }
0x9: {  	[smem:$0x3FAC] =	sst s1  }
0xa: {  	[smem:$0x3FAD] =	sst s2  }
0xb: {  	[smem:$0x3FAE] =	sst s3  }
0xc: {  	[smem:$0x3FAF] =	sst s4  }
0xd: {  	[smem:$0x3FB0] =	sst s5  }
0xe: {  	[smem:$0x3FB1] =	sst s6  }
0xf: {  	[smem:$0x3FB2] =	sst s7  }
0x10: {  	[smem:$0x3FB3] =	sst s8  }
0x11: {  	[smem:$0x3FB4] =	sst s9;
	s0 =	simm.s32 @!p0 $0x0  }
0x12: {  	s1 =	sld [smem:$0x3F9A];
	s0 =	simm.s32 @p0 $0x1  }
0x13: {  	[smem:$0x3FB5] =	sst s0;
	s0 =	simm.s32 @!p1 $0x0  }
0x14: {  	s2 =	sld [smem:$0x3F99];
	s0 =	simm.s32 @p1 $0x1  }
0x15: {  	[smem:$0x3FB6] =	sst s0;
	s0 =	simm.s32 @!p2 $0x0  }
0x16: {  	s3 =	sld [smem:$0x3FDB];
	s0 =	simm.s32 @p2 $0x1  }
0x17: {  	s4 =	simm.s32 $0x1BF5;
	[smem:$0x3FB8] =	sst s0  }
0x18: {  	s0 =	sld [smem:$0x3F9B];
	_ =	swait.ge [sflag:s4], $0x0  }
0x19: {  	s7 =	sld [smem:$0x3F9C]  }
0x1a: {  	s8 =	sadd.s32 $0xFFFFE003, lr  }
0x1b: {  	s9 =	sadd.s32 $0xFFFFFEF7, lr;
	s5 =	simm.s32 $0xFFFFFFFF;
	p2 =	slt.u32 s8, $0xFFFFF086  }
0x1c: {  	p1 =	slt.u32 s9, $0xF7A;
	s5 =	simm.s32 @!p2 $0x0  }
0x1d: {  	s5 =	simm.s32 @p1 $0x1;
	p0 =	seq.s32 s7, s2  }
0x1e: {  	s7 =	smul.u32 @!p0 $0xF7A, s2;
	p2 =	seq.s32 @!p0 s5, $0x0  }
0x1f: {  	s9 =	smul.u32 $0xF7A, s1;
	s8 =	simm.s32 @!p0 $0x1BF5;
	p2 =	por !p2, p0  }
0x20: {  	[sflag:s8] =	ssyncset.s32 @!p0 $0xFFFFF086;
	s6 =	sadd.s32 @!p0 s3, s7;
	s7 =	simm.s32 @!p0 $0x108  }
0x21: {  	s3 =	sadd.s32 s3, s9;
	s6 =	sadd.s32 @!p0 $0x88, s6;
	s7 =	simm.s32 @p2 $0x1082  }
0x22: {  	[simem:s7], [sflag:s8] =	dma.local @!p0 [hbm:s6], $0xF7A  }
0x23: {  	s9 =	sor.u32 $0xD0000000, s2;
	s6 =	simm.s32 $0x108;
	_ =	swait.ge @!p0 [sflag:s8], $0x0  }
0x24: {  	s3 =	sadd.s32 $0x88, s3;
	s6 =	simm.s32 @!p1 $0x1082;
	[sflag:s4] =	ssyncset.s32 $0xFFFFF086  }
0x25: {  	[simem:s6], [sflag:s4] =	dma.local [hbm:s3], $0xF7A  }
0x26: {  	[smem:$0x3F9C] =	sst s1;
	(tag) =	ssettag s2;
	_ =	strace s9  }
0x27: {  	s1 =	sld [smem:$0x3FAC]  }
0x28: {  	s2 =	sld [smem:$0x3FAD]  }
0x29: {  	s4 =	sld [smem:$0x3FAF]  }
0x2a: {  	p0 =	seq.s32 s5, $0x0;
	s5 =	sld [smem:$0x3FB0]  }
0x2b: {  	s6 =	sld [smem:$0x3FB1]  }
0x2c: {  	s7 =	sld [smem:$0x3FB2]  }
0x2d: {  	s3 =	simm.s32 $0x108;
	s8 =	sld [smem:$0x3FB3]  }
0x2e: {  	s3 =	simm.s32 @!p0 $0x1082;
	s9 =	sld [smem:$0x3FB4]  }
0x2f: {  	lr =	sadd.s32 s0, s3;
	s0 =	sld [smem:$0x3FAB]  }
0x30: {  	s3 =	sld [smem:$0x3FAE]  }
0x31: {  	[smem:$0x3FB7] =	sst s10  }
0x32: {  	s10 =	sld [smem:$0x3FB5];
	_ =	sdelay $0x3  }
0x33: {  	p0 =	seq.s32 s10, $0x1;
	s10 =	sld [smem:$0x3FB7];
	_ =	sdelay $0x3  }
0x34: {  	[smem:$0x3FB7] =	sst s10  }
0x35: {  	s10 =	sld [smem:$0x3FB6];
	_ =	sdelay $0x3  }
0x36: {  	p1 =	seq.s32 s10, $0x1;
	s10 =	sld [smem:$0x3FB7];
	_ =	sdelay $0x3  }
0x37: {  	[smem:$0x3FB7] =	sst s10  }
0x38: {  	s10 =	sld [smem:$0x3FB8]  }
0x39: {  	_ = 	snop;
	(pc) =	sbr.ind lr, $3  }
0x3a: {  	_ = 	snop  }
0x3b: {  	_ = 	snop  }
0x3c: {  	p2 =	seq.s32 s10, $0x1;
	s10 =	sld [smem:$0x3FB7]  }
0x3d: {  	_ =	shalt  }
0x3e: {  	_ =	shalt  }
0x3f: {  	_ =	shalt  }
0x40: {  	_ =	shalt  }
0x41: {  	_ =	shalt  }
0x42: {  	_ =	shalt  }
0x43: {  	_ =	shalt  }
0x44: {  	_ =	shalt  }
0x45: {  	_ =	shalt  }
0x46: {  	_ =	shalt  }
0x47: {  	_ =	shalt  }
0x48: {  	_ =	shalt  }
0x49: {  	_ =	shalt  }
0x4a: {  	_ =	shalt  }
0x4b: {  	_ =	shalt  }
0x4c: {  	_ =	shalt  }
0x4d: {  	_ =	shalt  }
0x4e: {  	_ =	shalt  }
0x4f: {  	_ =	shalt  }
0x50: {  	_ =	shalt  }
0x51: {  	_ =	shalt  }
0x52: {  	_ =	shalt  }
0x53: {  	_ =	shalt  }
0x54: {  	_ =	shalt  }
0x55: {  	_ =	shalt  }
0x56: {  	_ =	shalt  }
0x57: {  	_ =	shalt  }
0x58: {  	_ =	shalt  }
0x59: {  	_ =	shalt  }
0x5a: {  	_ =	shalt  }
0x5b: {  	_ =	shalt  }
0x5c: {  	_ =	shalt  }
0x5d: {  	_ =	shalt  }
0x5e: {  	_ =	shalt  }
0x5f: {  	_ =	shalt  }
0x60: {  	_ =	shalt  }
0x61: {  	_ =	shalt  }
0x62: {  	_ =	shalt  }
0x63: {  	_ =	shalt  }
0x64: {  	_ =	shalt  }
0x65: {  	_ =	shalt  }
0x66: {  	_ =	shalt  }
0x67: {  	_ =	shalt  }
0x68: {  	_ =	shalt  }
0x69: {  	_ =	shalt  }
0x6a: {  	_ =	shalt  }
0x6b: {  	_ =	shalt  }
0x6c: {  	_ =	shalt  }
0x6d: {  	_ =	shalt  }
0x6e: {  	_ =	shalt  }
0x6f: {  	_ =	shalt  }
0x70: {  	_ =	shalt  }
0x71: {  	_ =	shalt  }
0x72: {  	_ =	shalt  }
0x73: {  	_ =	shalt  }
0x74: {  	_ =	shalt  }
0x75: {  	_ =	shalt  }
0x76: {  	_ =	shalt  }
0x77: {  	_ =	shalt  }
0x78: {  	_ =	shalt  }
0x79: {  	_ =	shalt  }
0x7a: {  	_ =	shalt  }
0x7b: {  	_ =	shalt  }
0x7c: {  	_ =	shalt  }
0x7d: {  	_ =	shalt  }
0x7e: {  	_ =	shalt  }
0x7f: {  	_ =	shalt  }
0x80: {  	_ =	shalt  }
0x81: {  	_ =	shalt  }
0x82: {  	_ =	shalt  }
0x83: {  	_ =	shalt  }
0x84: {  	_ =	shalt  }
0x85: {  	_ =	shalt  }
0x86: {  	_ =	shalt  }
0x87: {  	_ =	shalt  }
.Lfunc_end0:
.L_simem_size_0:
called_computation.2_lowered:
.L_overlay_start_0:
0x88: {  	s2 =	sld [smem:$0x3FD9]  }
0x89: {  	s3 =	sld [smem:$0x3FFE];
	_ =	sdelay $0x1  }
0x8a: {  	s1 =	srdreg.scid  }
0x8b: {  	s0 =	sand.u32 $0x1, s1  }
0x8c: {  	s17 =	sshll.u32 s0, $0xA;
	s2 =	sadd.s32 s3, s2  }
0x8d: {  	s2 =	sadd.s32 s2, s17  }
0x8e: {  	[smem:$0x3FC3] =	sst s2  }
0x8f: {  	_ = 	snop  }
0x90: {  	s2 =	sld [smem:$0x3FD0];
	(tm) =	ssettm $0x1  }
0x91: {  	s18 =	sld [smem:$0x3FFB];
	_ =	sdelay $0x3  }
0x92: {  	_ =	strace s18  }
0x93: {  	s3 =	sld [smem:$0x3FFC];
	_ =	sdelay $0x3  }
0x94: {  	_ =	strace s3  }
0x95: {  	s3 =	sld [smem:$0x3FFD];
	_ =	sdelay $0x3  }
0x96: {  	_ =	strace s3  }
0x97: {  	_ =	strace $0x8FFFFFFF  }
0x98: {  	s19 =	sld [smem:$0x3FDB];
	_ =	sdelay $0x1  }
0x99: {  	s4 =	simm.s32 $_scs_section_size  }
0x9a: {  	s5 =	simm.s32 $_size__tile_overlayer_lowered;
	s6 =	simm.s32 $_tile_overlayer_lowered  }
0x9b: {  	s22 =	simm.s32 $0x1BFF;
	s21 =	sshll.u32 s6, $0x1;
	s3 =	sadd.s32 s4, s19  }
0x9c: {  	s7 =	simm.s32 $0x0;
	s20 =	sshll.u32 s5, $0x1;
	s5 =	sadd.s32 s21, s3  }
0x9d: {  	[timem:s7], [sflag:s22] =	dma.local [hbm:s5], s20  }
0x9e: {  	_ =	swait.ge [sflag:s22], s20  }
0x9f: {  	s4 =	ssub.s32 $0x0, s20;
	[sflag:s22] =	ssyncset.done $0x0  }
0xa0: {  	[sflag:s22] =	ssyncadd.s32 s4;
	_ =	sdelay $0x1  }
0xa1: {  	s23 =	simm.s32 $0x1B8B  }
0xa2: {  	_ =	swait.ge [sflag:s23], $0x1  }
0xa3: {  	[sflag:s23] =	ssyncset.done $0x0  }
0xa4: {  	s25 =	simm.s32 $0x1B8E;
	s24 =	sld [smem:$0x3FFE];
	[sflag:s23] =	ssyncadd.s32 $0xFFFFFFFF  }
0xa5: {  	s26 =	simm.s32 $execute0_lowered;
	[smem:$0x3FD2] =	sst s25  }
0xa6: {  	s5 =	sshll.u32 s26, $0x1;
	_ =	strace $0x8000004C;
	[dreg:$0x1] =	wrdreg $0xFFFFFFFF  }
0xa7: {  	s28 =	simm.s32 $_size_execute0_lowered;
	s3 =	sadd.s32 s3, s5;
	[dreg:$0x0] =	wrdreg $0x0  }
0xa8: {  	s5 =	sshll.u32 s28, $0x1;
	[dreg:$0x2] =	wrdreg s3  }
0xa9: {  	[dreg:$0x3] =	wrdreg s5  }
0xaa: {  	[dreg:$0x4] =	wrdreg $0xC0  }
0xab: {  	_ =	task [dreg:s7], $0x5FFFF  }
0xac: {  	[dreg:$0x1] =	wrdreg $0xFFFFFFFF  }
0xad: {  	[dreg:$0x0] =	wrdreg $0x60  }
0xae: {  	[dreg:$0x2] =	wrdreg s2  }
0xaf: {  	[dreg:$0x3] =	wrdreg s24  }
0xb0: {  	[dreg:$0x4] =	wrdreg $0x41000  }
0xb1: {  	[dreg:$0x5] =	wrdreg $0x9  }
0xb2: {  	_ =	task.clear_ibuf [dreg:s7], $0x6FFFF;
	_ =	strace $0x9000004C  }
0xb3: {  	s29 =	simm.s32 $0x9;
	_ =	strace $0x8000004E  }
0xb4: {  	_ =	swait.ge [sflag:s29], $0x1  }
0xb5: {  	[sflag:s29] =	ssyncadd.s32 $0xFFFFFFFF  }
0xb6: {  	_ =	strace $0x9000004E  }
0xb7: {  	_ =	sfence  }
0xb8: {  	s30 =	sld [smem:$0x0];
	_ =	sdelay $0x2  }
0xb9: {  	s31 =	sshll.u32 s1, $0xD;
	s1 =	sshrl.u32 s1, $0x2  }
0xba: {  	s3 =	sand.u32 $0x4000, s31;
	s1 =	sadd.s32 s1, s30  }
0xbb: {  	s0 =	sor.u32 s3, s0;
	s1 =	sshll.u32 s1, $0x11  }
0xbc: {  	s0 =	sor.u32 s1, s0  }
0xbd: {  	s0 =	sadd.s32 $0x8F2B, s0  }
0xbe: {  	[sflag:s0] =	ssyncadd.remote.s32 $0x1  }
0xbf: {  	_ =	sfence.sel $0xFFFF  }
0xc0: {  	[dreg:$0x0] =	wrdreg $0xFFFFFFFF;
	(pc) =	sbr.abs _section_cstart, $3  }
0xc1: {  	[dreg:$0x1] =	wrdreg $0xFFFFFFFF  }
0xc2: {  	_ =	task.clear_ibuf [dreg:s7], $0x2FFFF;
	_ =	strace $0x9FFFFFFF  }
0xc3: {  	(tm) =	ssettm $0x7FFFFFFF  }
tec
execute0_lowered:
.L_overlay_start_1:
0x0: {  	(tag) =	ssettag $0x1  }
0x1: {  	s0 =	rddreg [dreg:$0x0]  }
0x2: {  	s7 =	rddreg [dreg:$0x1]  }
0x3: {  	s1 =	srdreg.scid;
	s3 =	rddreg [dreg:$0x2]  }
0x4: {  	s2 =	stileid.u32;
	s4 =	simm.s32 $0x0;
	s15 =	simm.s32 $0x100  }
0x5: {  	s16 =	simm.s32 $0x2;
	s17 =	simm.s32 $0x80;
	s18 =	simm.s32 $0x1  }
0x6: {  	s8 =	sand.u32 $0x1, s1;
	s1 =	rddreg [dreg:$0x3];
	s6 =	smul.u32 $0x14000, s2  }
0x7: {  	s21 =	simm.s32 $0x0;
	[smem:$0x7FF] =	sst s4;
	s10 =	smul.u32 $0x50000, s2  }
0x8: {  	s19 =	sshll.u32 s2, $0x6;
	s5 =	smul.u32 $0x140000, s8;
	_ =	strace $0x8000004D  }
0x9: {  	s30 =	ssub.s32 $0x2, s8;
	s8 =	sshll.u32 s8, $0x4;
	s19 =	sor.u32 $0x1C02, s19  }
0xa: {  	s31 =	sshrl.u32 s30, $0x1;
	s10 =	sshrl.u32 s10, $0x2;
	s12 =	sor.u32 s2, s8  }
0xb: {  	s6 =	sadd.s32 s6, s5;
	s5 =	sadd.s32 $0x5C600, s7;
	s14 =	ssub.s32 s30, s31  }
0xc: {  	s12 =	smul.u32 $0x2800, s12;
	s9 =	sshrl.u32 s6, $0x3;
	s6 =	sadd.s32 $0x2600, s7  }
0xd: {  	s14 =	smax.u32 s14, $0x1;
	s13 =	sadd.s32 s9, s7;
	s7 =	sadd.s32 s10, s3  }
0xe: {  	s8 =	sadd.s32 $0x4000, s7;
	s9 =	sadd.s32 $0x8000, s7;
	s10 =	sadd.s32 $0xC000, s7  }
0xf: {  	v0 =	vimm.f32 $0.0e+00;
	s11 =	sadd.s32 $0x10000, s7;
	s13 =	sadd.s32 $0xC600, s13;
	s20 =	sshrl.u32 s7, $0x3  }
.LBB2_1:
0x10: {  	s22 =	simm.s32 $0x0;
	s23 =	simm.s32 $0x200  }
.LBB2_2:
0x11: {  	p0 =	sne.s32 s23, $0xFE00;
	[tilespmem:s22+$0x170] =	vst v0  }
0x12: {  	[tilespmem:s22+$0x100] =	vst v0  }
0x13: {  	[tilespmem:s22+$0x110] =	vst v0  }
.Ltmp0:
0x14: {  	[tilespmem:s22+$0x120] =	vst v0;
	(pc) =	sbr.rel @p0 .LBB2_2-.Ltmp0, $4  }
0x15: {  	[tilespmem:s22+$0x130] =	vst v0  }
0x16: {  	[tilespmem:s22+$0x140] =	vst v0  }
0x17: {  	[tilespmem:s22+$0x150] =	vst v0  }
0x18: {  	[tilespmem:s22+$0x160] =	vst v0;
	s22 =	sshra.s32 s23, $0x2;
	s23 =	sadd.s32 $0x200, s23  }
0x19: {  	[tilespmem:s22+$0x170] =	vst v0  }
0x1a: {  	[tilespmem:s22+$0x100] =	vst v0  }
0x1b: {  	[tilespmem:s22+$0x110] =	vst v0  }
0x1c: {  	[tilespmem:s22+$0x120] =	vst v0  }
0x1d: {  	[tilespmem:s22+$0x130] =	vst v0  }
0x1e: {  	[tilespmem:s22+$0x140] =	vst v0  }
0x1f: {  	[tilespmem:s22+$0x150] =	vst v0  }
0x20: {  	[tilespmem:s22+$0x160] =	vst v0  }
0x21: {  	[spmem:s7] =	stream.linear.scatter [tilespmem:s15], [sflag:$0x2], $0x4000, $0x38;
	[tilespmem:$0x18100] =	vst v63  }
0x22: {  	_ =	swait.ge [sflag:s16], $0x4000  }
0x23: {  	[sflag:s16] =	ssyncset.done $0x0  }
0x24: {  	[sflag:s16] =	ssyncadd.s32 $0xFFFFC000  }
0x25: {  	[spmem:s8] =	stream.linear.scatter [tilespmem:s15], [sflag:$0x2], $0x4000, $0x38;
	[tilespmem:$0x18100] =	vst v63  }
0x26: {  	_ =	swait.ge [sflag:s16], $0x4000  }
0x27: {  	[sflag:s16] =	ssyncset.done $0x0  }
0x28: {  	[sflag:s16] =	ssyncadd.s32 $0xFFFFC000  }
0x29: {  	[spmem:s9] =	stream.linear.scatter [tilespmem:s15], [sflag:$0x2], $0x4000, $0x38;
	[tilespmem:$0x18100] =	vst v63  }
0x2a: {  	_ =	swait.ge [sflag:s16], $0x4000  }
0x2b: {  	[sflag:s16] =	ssyncset.done $0x0  }
0x2c: {  	[sflag:s16] =	ssyncadd.s32 $0xFFFFC000  }
0x2d: {  	[spmem:s10] =	stream.linear.scatter [tilespmem:s15], [sflag:$0x2], $0x4000, $0x38;
	[tilespmem:$0x18100] =	vst v63  }
0x2e: {  	_ =	swait.ge [sflag:s16], $0x4000  }
0x2f: {  	s28 =	simm.s32 $0x0;
	[sflag:s16] =	ssyncset.done $0x0  }
0x30: {  	s23 =	sand.u32 $0x3C00, s28;
	[sflag:s16] =	ssyncadd.s32 $0xFFFFC000  }
0x31: {  	[spmem:s11] =	stream.linear.scatter [tilespmem:s15], [sflag:$0x2], $0x4000, $0x38;
	[tilespmem:$0x18100] =	vst v63  }
0x32: {  	s22 =	sand.u32 $0x380, s28;
	s23 =	sadd.s32 s12, s23;
	_ =	swait.ge [sflag:s16], $0x4000  }
0x33: {  	s22 =	sor.u32 s22, s23;
	[sflag:s16] =	ssyncset.done $0x0  }
0x34: {  	s22 =	sshrl.u32 s22, $0x3;
	[sflag:s16] =	ssyncadd.s32 $0xFFFFC000  }
0x35: {  	s29 =	sadd.s32 s5, s22;
	[bflag:$0x0] =	sbarrier.arrive $0xFFFF  }
0x36: {  	[tilespmem:s4], [sflag:$0x2] =	stream.linear.gather [hbm4b:s29+s4], $0x80, $0x38;
	[tilespmem:$0x18100] =	vst v63  }
0x37: {  	_ =	swait.ge [sflag:s16], $0x80  }
0x38: {  	[sflag:s16] =	ssyncset.done $0x0  }
0x39: {  	s22 =	sadd.s32 s6, s22;
	[sflag:s16] =	ssyncadd.s32 $0xFFFFFF80  }
0x3a: {  	[tilespmem:s17], [sflag:$0x2] =	stream.linear.gather [hbm4b:s22+s4], $0x80, $0x38;
	[tilespmem:$0x18100] =	vst v63  }
0x3b: {  	_ =	swait.ge [sflag:s16], $0x80  }
0x3c: {  	[sflag:s16] =	ssyncset.done $0x0  }
0x3d: {  	[sflag:s16] =	ssyncadd.s32 $0xFFFFFF80  }
0x3e: {  	[tilespmem:s15], [sflag:$0x1] =	stream.indirect.gather [hbm4b:s0+s17], $0x80, s4, s17, $0xb8;
	[tilespmem:$0x18100] =	vst v63  }
0x3f: {  	_ =	swait.ge [sflag:s18], $0x4000  }
0x40: {  	s30 =	simm.s32 $0x80;
	[sflag:s18] =	ssyncset.done $0x0  }
0x41: {  	s31 =	sand.u32 $0x3C00, s30;
	[sflag:s18] =	ssyncadd.s32 $0xFFFFC000  }
0x42: {  	[spmem:s3] =	stream.indirect.scatter.add.f32 [tilespmem:s15], [sflag:$0x2], $0x80, s17, s17, $0xb8;
	[tilespmem:$0x18100] =	vst v63  }
0x43: {  	s24 =	sand.u32 $0x380, s30;
	s23 =	sadd.s32 s12, s31;
	_ =	swait.ge [sflag:s16], $0x4000  }
0x44: {  	s23 =	sor.u32 s24, s23;
	s22 =	simm.s32 $0x100;
	[sflag:s16] =	ssyncset.done $0x0  }
.LBB2_4:
0x45: {  	s23 =	sshrl.u32 s23, $0x3  }
0x46: {  	[sflag:s16] =	ssyncadd.s32 $0xFFFFC000;
	s24 =	smov.u32 s22;
	s25 =	sadd.s32 $0x80, s22  }
0x47: {  	p0 =	sne.s32 s22, $0x2700;
	s22 =	sadd.s32 s5, s23  }
0x48: {  	[tilespmem:s4], [sflag:$0x2] =	stream.linear.gather [hbm4b:s22+s4], $0x80, $0x38;
	[tilespmem:$0x18100] =	vst v63  }
0x49: {  	_ =	swait.ge [sflag:s16], $0x80  }
0x4a: {  	[sflag:s16] =	ssyncset.done $0x0  }
0x4b: {  	s22 =	sadd.s32 s6, s23;
	[sflag:s16] =	ssyncadd.s32 $0xFFFFFF80  }
0x4c: {  	[tilespmem:s17], [sflag:$0x2] =	stream.linear.gather [hbm4b:s22+s4], $0x80, $0x38;
	[tilespmem:$0x18100] =	vst v63  }
0x4d: {  	_ =	swait.ge [sflag:s16], $0x80  }
0x4e: {  	[sflag:s16] =	ssyncset.done $0x0  }
0x4f: {  	[sflag:s16] =	ssyncadd.s32 $0xFFFFFF80  }
0x50: {  	[tilespmem:s15], [sflag:$0x1] =	stream.indirect.gather [hbm4b:s0+s17], $0x80, s4, s17, $0xb8;
	[tilespmem:$0x18100] =	vst v63  }
0x51: {  	_ =	swait.ge [sflag:s18], $0x4000  }
.Ltmp1:
0x52: {  	[sflag:s18] =	ssyncset.done $0x0;
	(pc) =	sbr.rel @p0 .LBB2_4-.Ltmp1, $4  }
0x53: {  	s22 =	sand.u32 $0x3C00, s24;
	[sflag:s18] =	ssyncadd.s32 $0xFFFFC000  }
0x54: {  	[spmem:s3] =	stream.indirect.scatter.add.f32 [tilespmem:s15], [sflag:$0x2], $0x80, s17, s17, $0xb8;
	[tilespmem:$0x18100] =	vst v63  }
0x55: {  	s23 =	sand.u32 $0x380, s24;
	s22 =	sadd.s32 s12, s22;
	_ =	swait.ge [sflag:s16], $0x4000  }
0x56: {  	s23 =	sor.u32 s23, s22;
	s22 =	smov.u32 s25;
	[sflag:s16] =	ssyncset.done $0x0  }
0x57: {  	s22 =	sshrl.u32 s23, $0x3  }
0x58: {  	[sflag:s16] =	ssyncadd.s32 $0xFFFFC000;
	s23 =	sadd.s32 s5, s22  }
0x59: {  	[tilespmem:s4], [sflag:$0x2] =	stream.linear.gather [hbm4b:s23+s4], $0x80, $0x38;
	[tilespmem:$0x18100] =	vst v63  }
0x5a: {  	_ =	swait.ge [sflag:s16], $0x80  }
0x5b: {  	[sflag:s16] =	ssyncset.done $0x0  }
0x5c: {  	s22 =	sadd.s32 s6, s22;
	[sflag:s16] =	ssyncadd.s32 $0xFFFFFF80  }
0x5d: {  	[tilespmem:s17], [sflag:$0x2] =	stream.linear.gather [hbm4b:s22+s4], $0x80, $0x38;
	[tilespmem:$0x18100] =	vst v63  }
0x5e: {  	_ =	swait.ge [sflag:s16], $0x80  }
0x5f: {  	[sflag:s16] =	ssyncset.done $0x0  }
0x60: {  	[sflag:s16] =	ssyncadd.s32 $0xFFFFFF80  }
0x61: {  	[tilespmem:s15], [sflag:$0x1] =	stream.indirect.gather [hbm4b:s0+s17], $0x80, s4, s17, $0xb8;
	[tilespmem:$0x18100] =	vst v63  }
0x62: {  	_ =	swait.ge [sflag:s18], $0x4000  }
0x63: {  	[sflag:s18] =	ssyncset.done $0x0  }
0x64: {  	[sflag:s18] =	ssyncadd.s32 $0xFFFFC000  }
0x65: {  	[spmem:s3] =	stream.indirect.scatter.add.f32 [tilespmem:s15], [sflag:$0x2], $0x80, s17, s17, $0xb8;
	[tilespmem:$0x18100] =	vst v63  }
0x66: {  	_ =	swait.ge [sflag:s16], $0x4000  }
0x67: {  	s21 =	sadd.s32 $0x1, s21;
	[sflag:s16] =	ssyncset.done $0x0  }
0x68: {  	p0 =	sne.s32 s21, s14;
	[sflag:s16] =	ssyncadd.s32 $0xFFFFC000  }
.Ltmp2:
0x69: {  	[bflag:$0x0] =	sbarrier.arrive $0xFFFF;
	(pc) =	sbr.rel @p0 .LBB2_1-.Ltmp2, $4  }
0x6a: {  	[hbm:s13], [sflag:s19] =	dma.local [spmem:s20], $0x2800  }
0x6b: {  	_ =	swait.ge [sflag:s16], $0x2800  }
0x6c: {  	[sflag:s16] =	ssyncset.done $0x0  }
0x6d: {  	[sflag:s16] =	ssyncadd.s32 $0xFFFFD800  }
0x6e: {  	_ =	sfence.sel $0x180000  }
0x6f: {  	[bflag:$0x0] =	sbarrier.arrive $0xFFFF  }
0x70: {  	p0 =	sne.s32 s2, $0x0;
	_ =	strace $0x9000004D  }
0x71: {  	s0 =	sadd.s32 @!p0 $0x100000, s1;
	[bflag:$0x2] =	sbarrier.arrive $0xFFFF  }
0x72: {  	[sflag:s0] =	ssyncadd.tile.s32 @!p0 $0x1;
	_ =	shalt  }
.Lfunc_end2:
_tile_overlayer_lowered:
.L_overlay_start_2:
0x73: {  	(tag) =	ssettag $0x2  }
0x74: {  	s0 =	rddreg [dreg:$0x0];
	s2 =	stileid.u32  }
0x75: {  	s1 =	rddreg [dreg:$0x1];
	p0 =	sne.s32 s2, $0x0  }
0x76: {  	s3 =	rddreg [dreg:$0x2];
	[bflag:$0x3] =	sbarrier.arrive $0xFFFF;
	s2 =	simm.s32 @!p0 $0x1C02  }
0x77: {  	[timem:s3], [sflag:s2] =	dma.local @!p0 [hbm:s0], s1  }
0x78: {  	s0 =	simm.s32 @!p0 $0x2  }
0x79: {  	_ =	swait.ge @!p0 [sflag:s0], s1  }
0x7a: {  	s1 =	ssub.s32 @!p0 $0x0, s1;
	[sflag:s0] =	ssyncset.done @!p0 $0x0  }
0x7b: {  	[sflag:s0] =	ssyncadd.s32 @!p0 s1  }
0x7c: {  	[bflag:$0x3] =	sbarrier.arrive $0xFFFF  }
0x7d: {  	_ =	shalt  }

// kernel: kernel.19.cloned.1.call-start
scs
__scs_entry_jumppad:
0x0: {  	(pc) =	sbr.rel $0x88, $3  }
0x1: {  	(tag) =	ssettag $0x0;
	lr =	simm.s32 $0x1  }
0x2: {  	[smem:$0x3F9C] =	sst lr;
	_ =	strace $0xD0000000  }
0x3: {  	_ = 	snop  }
0x4: {  	_ = 	snop  }
0x5: {  	_ = 	snop  }
0x6: {  	_ = 	snop  }
0x7: {  	_ = 	snop  }
__scs_overlays_trampoline_lowered:
0x8: {  	[smem:$0x3FAB] =	sst s0  }
0x9: {  	[smem:$0x3FAC] =	sst s1  }
0xa: {  	[smem:$0x3FAD] =	sst s2  }
0xb: {  	[smem:$0x3FAE] =	sst s3  }
0xc: {  	[smem:$0x3FAF] =	sst s4  }
0xd: {  	[smem:$0x3FB0] =	sst s5  }
0xe: {  	[smem:$0x3FB1] =	sst s6  }
0xf: {  	[smem:$0x3FB2] =	sst s7  }
0x10: {  	[smem:$0x3FB3] =	sst s8  }
0x11: {  	[smem:$0x3FB4] =	sst s9;
	s0 =	simm.s32 @!p0 $0x0  }
0x12: {  	s1 =	sld [smem:$0x3F9A];
	s0 =	simm.s32 @p0 $0x1  }
0x13: {  	[smem:$0x3FB5] =	sst s0;
	s0 =	simm.s32 @!p1 $0x0  }
0x14: {  	s2 =	sld [smem:$0x3F99];
	s0 =	simm.s32 @p1 $0x1  }
0x15: {  	[smem:$0x3FB6] =	sst s0;
	s0 =	simm.s32 @!p2 $0x0  }
0x16: {  	s3 =	sld [smem:$0x3FDB];
	s0 =	simm.s32 @p2 $0x1  }
0x17: {  	s4 =	simm.s32 $0x1BF5;
	[smem:$0x3FB8] =	sst s0  }
0x18: {  	s0 =	sld [smem:$0x3F9B];
	_ =	swait.ge [sflag:s4], $0x0  }
0x19: {  	s7 =	sld [smem:$0x3F9C]  }
0x1a: {  	s8 =	sadd.s32 $0xFFFFE003, lr  }
0x1b: {  	s9 =	sadd.s32 $0xFFFFFEF7, lr;
	s5 =	simm.s32 $0xFFFFFFFF;
	p2 =	slt.u32 s8, $0xFFFFF086  }
0x1c: {  	p1 =	slt.u32 s9, $0xF7A;
	s5 =	simm.s32 @!p2 $0x0  }
0x1d: {  	s5 =	simm.s32 @p1 $0x1;
	p0 =	seq.s32 s7, s2  }
0x1e: {  	s7 =	smul.u32 @!p0 $0xF7A, s2;
	p2 =	seq.s32 @!p0 s5, $0x0  }
0x1f: {  	s9 =	smul.u32 $0xF7A, s1;
	s8 =	simm.s32 @!p0 $0x1BF5;
	p2 =	por !p2, p0  }
0x20: {  	[sflag:s8] =	ssyncset.s32 @!p0 $0xFFFFF086;
	s6 =	sadd.s32 @!p0 s3, s7;
	s7 =	simm.s32 @!p0 $0x108  }
0x21: {  	s3 =	sadd.s32 s3, s9;
	s6 =	sadd.s32 @!p0 $0x88, s6;
	s7 =	simm.s32 @p2 $0x1082  }
0x22: {  	[simem:s7], [sflag:s8] =	dma.local @!p0 [hbm:s6], $0xF7A  }
0x23: {  	s9 =	sor.u32 $0xD0000000, s2;
	s6 =	simm.s32 $0x108;
	_ =	swait.ge @!p0 [sflag:s8], $0x0  }
0x24: {  	s3 =	sadd.s32 $0x88, s3;
	s6 =	simm.s32 @!p1 $0x1082;
	[sflag:s4] =	ssyncset.s32 $0xFFFFF086  }
0x25: {  	[simem:s6], [sflag:s4] =	dma.local [hbm:s3], $0xF7A  }
0x26: {  	[smem:$0x3F9C] =	sst s1;
	(tag) =	ssettag s2;
	_ =	strace s9  }
0x27: {  	s1 =	sld [smem:$0x3FAC]  }
0x28: {  	s2 =	sld [smem:$0x3FAD]  }
0x29: {  	s4 =	sld [smem:$0x3FAF]  }
0x2a: {  	p0 =	seq.s32 s5, $0x0;
	s5 =	sld [smem:$0x3FB0]  }
0x2b: {  	s6 =	sld [smem:$0x3FB1]  }
0x2c: {  	s7 =	sld [smem:$0x3FB2]  }
0x2d: {  	s3 =	simm.s32 $0x108;
	s8 =	sld [smem:$0x3FB3]  }
0x2e: {  	s3 =	simm.s32 @!p0 $0x1082;
	s9 =	sld [smem:$0x3FB4]  }
0x2f: {  	lr =	sadd.s32 s0, s3;
	s0 =	sld [smem:$0x3FAB]  }
0x30: {  	s3 =	sld [smem:$0x3FAE]  }
0x31: {  	[smem:$0x3FB7] =	sst s10  }
0x32: {  	s10 =	sld [smem:$0x3FB5];
	_ =	sdelay $0x3  }
0x33: {  	p0 =	seq.s32 s10, $0x1;
	s10 =	sld [smem:$0x3FB7];
	_ =	sdelay $0x3  }
0x34: {  	[smem:$0x3FB7] =	sst s10  }
0x35: {  	s10 =	sld [smem:$0x3FB6];
	_ =	sdelay $0x3  }
0x36: {  	p1 =	seq.s32 s10, $0x1;
	s10 =	sld [smem:$0x3FB7];
	_ =	sdelay $0x3  }
0x37: {  	[smem:$0x3FB7] =	sst s10  }
0x38: {  	s10 =	sld [smem:$0x3FB8]  }
0x39: {  	_ = 	snop;
	(pc) =	sbr.ind lr, $3  }
0x3a: {  	_ = 	snop  }
0x3b: {  	_ = 	snop  }
0x3c: {  	p2 =	seq.s32 s10, $0x1;
	s10 =	sld [smem:$0x3FB7]  }
0x3d: {  	_ =	shalt  }
0x3e: {  	_ =	shalt  }
0x3f: {  	_ =	shalt  }
0x40: {  	_ =	shalt  }
0x41: {  	_ =	shalt  }
0x42: {  	_ =	shalt  }
0x43: {  	_ =	shalt  }
0x44: {  	_ =	shalt  }
0x45: {  	_ =	shalt  }
0x46: {  	_ =	shalt  }
0x47: {  	_ =	shalt  }
0x48: {  	_ =	shalt  }
0x49: {  	_ =	shalt  }
0x4a: {  	_ =	shalt  }
0x4b: {  	_ =	shalt  }
0x4c: {  	_ =	shalt  }
0x4d: {  	_ =	shalt  }
0x4e: {  	_ =	shalt  }
0x4f: {  	_ =	shalt  }
0x50: {  	_ =	shalt  }
0x51: {  	_ =	shalt  }
0x52: {  	_ =	shalt  }
0x53: {  	_ =	shalt  }
0x54: {  	_ =	shalt  }
0x55: {  	_ =	shalt  }
0x56: {  	_ =	shalt  }
0x57: {  	_ =	shalt  }
0x58: {  	_ =	shalt  }
0x59: {  	_ =	shalt  }
0x5a: {  	_ =	shalt  }
0x5b: {  	_ =	shalt  }
0x5c: {  	_ =	shalt  }
0x5d: {  	_ =	shalt  }
0x5e: {  	_ =	shalt  }
0x5f: {  	_ =	shalt  }
0x60: {  	_ =	shalt  }
0x61: {  	_ =	shalt  }
0x62: {  	_ =	shalt  }
0x63: {  	_ =	shalt  }
0x64: {  	_ =	shalt  }
0x65: {  	_ =	shalt  }
0x66: {  	_ =	shalt  }
0x67: {  	_ =	shalt  }
0x68: {  	_ =	shalt  }
0x69: {  	_ =	shalt  }
0x6a: {  	_ =	shalt  }
0x6b: {  	_ =	shalt  }
0x6c: {  	_ =	shalt  }
0x6d: {  	_ =	shalt  }
0x6e: {  	_ =	shalt  }
0x6f: {  	_ =	shalt  }
0x70: {  	_ =	shalt  }
0x71: {  	_ =	shalt  }
0x72: {  	_ =	shalt  }
0x73: {  	_ =	shalt  }
0x74: {  	_ =	shalt  }
0x75: {  	_ =	shalt  }
0x76: {  	_ =	shalt  }
0x77: {  	_ =	shalt  }
0x78: {  	_ =	shalt  }
0x79: {  	_ =	shalt  }
0x7a: {  	_ =	shalt  }
0x7b: {  	_ =	shalt  }
0x7c: {  	_ =	shalt  }
0x7d: {  	_ =	shalt  }
0x7e: {  	_ =	shalt  }
0x7f: {  	_ =	shalt  }
0x80: {  	_ =	shalt  }
0x81: {  	_ =	shalt  }
0x82: {  	_ =	shalt  }
0x83: {  	_ =	shalt  }
0x84: {  	_ =	shalt  }
0x85: {  	_ =	shalt  }
0x86: {  	_ =	shalt  }
0x87: {  	_ =	shalt  }
.Lfunc_end0:
.L_simem_size_0:
called_computation.3_lowered:
.L_overlay_start_0:
0x88: {  	s2 =	sld [smem:$0x3FD9]  }
0x89: {  	s3 =	sld [smem:$0x3FFE];
	_ =	sdelay $0x1  }
0x8a: {  	s1 =	srdreg.scid  }
0x8b: {  	s0 =	sand.u32 $0x1, s1  }
0x8c: {  	s17 =	sshll.u32 s0, $0xA;
	s2 =	sadd.s32 s3, s2  }
0x8d: {  	s2 =	sadd.s32 s2, s17  }
0x8e: {  	[smem:$0x3FC3] =	sst s2  }
0x8f: {  	_ = 	snop  }
0x90: {  	s2 =	sld [smem:$0x3FD0];
	(tm) =	ssettm $0x1  }
0x91: {  	s18 =	sld [smem:$0x3FFB];
	_ =	sdelay $0x3  }
0x92: {  	_ =	strace s18  }
0x93: {  	s3 =	sld [smem:$0x3FFC];
	_ =	sdelay $0x3  }
0x94: {  	_ =	strace s3  }
0x95: {  	s3 =	sld [smem:$0x3FFD];
	_ =	sdelay $0x3  }
0x96: {  	_ =	strace s3  }
0x97: {  	_ =	strace $0x8FFFFFFF  }
0x98: {  	s19 =	sld [smem:$0x3FDB];
	_ =	sdelay $0x1  }
0x99: {  	s4 =	simm.s32 $_scs_section_size  }
0x9a: {  	s5 =	simm.s32 $_size__tile_overlayer_lowered;
	s6 =	simm.s32 $_tile_overlayer_lowered  }
0x9b: {  	s22 =	simm.s32 $0x1BFF;
	s21 =	sshll.u32 s6, $0x1;
	s3 =	sadd.s32 s4, s19  }
0x9c: {  	s7 =	simm.s32 $0x0;
	s20 =	sshll.u32 s5, $0x1;
	s5 =	sadd.s32 s21, s3  }
0x9d: {  	[timem:s7], [sflag:s22] =	dma.local [hbm:s5], s20  }
0x9e: {  	_ =	swait.ge [sflag:s22], s20  }
0x9f: {  	s4 =	ssub.s32 $0x0, s20;
	[sflag:s22] =	ssyncset.done $0x0  }
0xa0: {  	[sflag:s22] =	ssyncadd.s32 s4;
	_ =	sdelay $0x1  }
0xa1: {  	s23 =	simm.s32 $0x1B8B  }
0xa2: {  	_ =	swait.ge [sflag:s23], $0x1  }
0xa3: {  	[sflag:s23] =	ssyncset.done $0x0  }
0xa4: {  	s25 =	simm.s32 $0x1B8E;
	s24 =	sld [smem:$0x3FFE];
	[sflag:s23] =	ssyncadd.s32 $0xFFFFFFFF  }
0xa5: {  	s26 =	simm.s32 $execute0_lowered;
	[smem:$0x3FD2] =	sst s25  }
0xa6: {  	s5 =	sshll.u32 s26, $0x1;
	_ =	strace $0x8000004F;
	[dreg:$0x1] =	wrdreg $0xFFFFFFFF  }
0xa7: {  	s28 =	simm.s32 $_size_execute0_lowered;
	s3 =	sadd.s32 s3, s5;
	[dreg:$0x0] =	wrdreg $0x0  }
0xa8: {  	s5 =	sshll.u32 s28, $0x1;
	[dreg:$0x2] =	wrdreg s3  }
0xa9: {  	[dreg:$0x3] =	wrdreg s5  }
0xaa: {  	[dreg:$0x4] =	wrdreg $0xC0  }
0xab: {  	_ =	task [dreg:s7], $0x5FFFF  }
0xac: {  	[dreg:$0x1] =	wrdreg $0xFFFFFFFF  }
0xad: {  	[dreg:$0x0] =	wrdreg $0x60  }
0xae: {  	[dreg:$0x2] =	wrdreg s2  }
0xaf: {  	[dreg:$0x3] =	wrdreg s24  }
0xb0: {  	[dreg:$0x4] =	wrdreg $0x41000  }
0xb1: {  	[dreg:$0x5] =	wrdreg $0x9  }
0xb2: {  	_ =	task.clear_ibuf [dreg:s7], $0x6FFFF;
	_ =	strace $0x9000004F  }
0xb3: {  	s29 =	simm.s32 $0x9;
	_ =	strace $0x80000051  }
0xb4: {  	_ =	swait.ge [sflag:s29], $0x1  }
0xb5: {  	[sflag:s29] =	ssyncadd.s32 $0xFFFFFFFF  }
0xb6: {  	_ =	strace $0x90000051  }
0xb7: {  	_ =	sfence  }
0xb8: {  	s30 =	sld [smem:$0x0];
	_ =	sdelay $0x2  }
0xb9: {  	s31 =	sshll.u32 s1, $0xD;
	s1 =	sshrl.u32 s1, $0x2  }
0xba: {  	s3 =	sand.u32 $0x4000, s31;
	s1 =	sadd.s32 s1, s30  }
0xbb: {  	s0 =	sor.u32 s3, s0;
	s1 =	sshll.u32 s1, $0x11  }
0xbc: {  	s0 =	sor.u32 s1, s0  }
0xbd: {  	s0 =	sadd.s32 $0x8F2B, s0  }
0xbe: {  	[sflag:s0] =	ssyncadd.remote.s32 $0x1  }
0xbf: {  	_ =	sfence.sel $0xFFFF  }
0xc0: {  	[dreg:$0x0] =	wrdreg $0xFFFFFFFF;
	(pc) =	sbr.abs _section_cstart, $3  }
0xc1: {  	[dreg:$0x1] =	wrdreg $0xFFFFFFFF  }
0xc2: {  	_ =	task.clear_ibuf [dreg:s7], $0x2FFFF;
	_ =	strace $0x9FFFFFFF  }
0xc3: {  	(tm) =	ssettm $0x7FFFFFFF  }
tec
execute0_lowered:
.L_overlay_start_1:
0x0: {  	(tag) =	ssettag $0x1  }
0x1: {  	s0 =	rddreg [dreg:$0x0]  }
0x2: {  	s7 =	rddreg [dreg:$0x1]  }
0x3: {  	s1 =	srdreg.scid;
	s3 =	rddreg [dreg:$0x2]  }
0x4: {  	s2 =	stileid.u32;
	s4 =	simm.s32 $0x0;
	s15 =	simm.s32 $0x100  }
0x5: {  	s16 =	simm.s32 $0x2;
	s17 =	simm.s32 $0x80;
	s18 =	simm.s32 $0x1  }
0x6: {  	s8 =	sand.u32 $0x1, s1;
	s1 =	rddreg [dreg:$0x3];
	s6 =	smul.u32 $0x14000, s2  }
0x7: {  	s21 =	simm.s32 $0x0;
	[smem:$0x7FF] =	sst s4;
	s10 =	smul.u32 $0x50000, s2  }
0x8: {  	s19 =	sshll.u32 s2, $0x6;
	s5 =	smul.u32 $0x140000, s8;
	_ =	strace $0x80000050  }
0x9: {  	s30 =	ssub.s32 $0x2, s8;
	s8 =	sshll.u32 s8, $0x4;
	s19 =	sor.u32 $0x1C02, s19  }
0xa: {  	s31 =	sshrl.u32 s30, $0x1;
	s10 =	sshrl.u32 s10, $0x2;
	s12 =	sor.u32 s2, s8  }
0xb: {  	s6 =	sadd.s32 s6, s5;
	s5 =	sadd.s32 $0x5C600, s7;
	s14 =	ssub.s32 s30, s31  }
0xc: {  	s12 =	smul.u32 $0x2800, s12;
	s9 =	sshrl.u32 s6, $0x3;
	s6 =	sadd.s32 $0x2600, s7  }
0xd: {  	s14 =	smax.u32 s14, $0x1;
	s13 =	sadd.s32 s9, s7;
	s7 =	sadd.s32 s10, s3  }
0xe: {  	s8 =	sadd.s32 $0x4000, s7;
	s9 =	sadd.s32 $0x8000, s7;
	s10 =	sadd.s32 $0xC000, s7  }
0xf: {  	v0 =	vimm.f32 $0.0e+00;
	s11 =	sadd.s32 $0x10000, s7;
	s13 =	sadd.s32 $0xC600, s13;
	s20 =	sshrl.u32 s7, $0x3  }
.LBB2_1:
0x10: {  	s22 =	simm.s32 $0x0;
	s23 =	simm.s32 $0x200  }
.LBB2_2:
0x11: {  	p0 =	sne.s32 s23, $0xFE00;
	[tilespmem:s22+$0x170] =	vst v0  }
0x12: {  	[tilespmem:s22+$0x100] =	vst v0  }
0x13: {  	[tilespmem:s22+$0x110] =	vst v0  }
.Ltmp0:
0x14: {  	[tilespmem:s22+$0x120] =	vst v0;
	(pc) =	sbr.rel @p0 .LBB2_2-.Ltmp0, $4  }
0x15: {  	[tilespmem:s22+$0x130] =	vst v0  }
0x16: {  	[tilespmem:s22+$0x140] =	vst v0  }
0x17: {  	[tilespmem:s22+$0x150] =	vst v0  }
0x18: {  	[tilespmem:s22+$0x160] =	vst v0;
	s22 =	sshra.s32 s23, $0x2;
	s23 =	sadd.s32 $0x200, s23  }
0x19: {  	[tilespmem:s22+$0x170] =	vst v0  }
0x1a: {  	[tilespmem:s22+$0x100] =	vst v0  }
0x1b: {  	[tilespmem:s22+$0x110] =	vst v0  }
0x1c: {  	[tilespmem:s22+$0x120] =	vst v0  }
0x1d: {  	[tilespmem:s22+$0x130] =	vst v0  }
0x1e: {  	[tilespmem:s22+$0x140] =	vst v0  }
0x1f: {  	[tilespmem:s22+$0x150] =	vst v0  }
0x20: {  	[tilespmem:s22+$0x160] =	vst v0  }
0x21: {  	[spmem:s7] =	stream.linear.scatter [tilespmem:s15], [sflag:$0x2], $0x4000, $0x38;
	[tilespmem:$0x18100] =	vst v63  }
0x22: {  	_ =	swait.ge [sflag:s16], $0x4000  }
0x23: {  	[sflag:s16] =	ssyncset.done $0x0  }
0x24: {  	[sflag:s16] =	ssyncadd.s32 $0xFFFFC000  }
0x25: {  	[spmem:s8] =	stream.linear.scatter [tilespmem:s15], [sflag:$0x2], $0x4000, $0x38;
	[tilespmem:$0x18100] =	vst v63  }
0x26: {  	_ =	swait.ge [sflag:s16], $0x4000  }
0x27: {  	[sflag:s16] =	ssyncset.done $0x0  }
0x28: {  	[sflag:s16] =	ssyncadd.s32 $0xFFFFC000  }
0x29: {  	[spmem:s9] =	stream.linear.scatter [tilespmem:s15], [sflag:$0x2], $0x4000, $0x38;
	[tilespmem:$0x18100] =	vst v63  }
0x2a: {  	_ =	swait.ge [sflag:s16], $0x4000  }
0x2b: {  	[sflag:s16] =	ssyncset.done $0x0  }
0x2c: {  	[sflag:s16] =	ssyncadd.s32 $0xFFFFC000  }
0x2d: {  	[spmem:s10] =	stream.linear.scatter [tilespmem:s15], [sflag:$0x2], $0x4000, $0x38;
	[tilespmem:$0x18100] =	vst v63  }
0x2e: {  	_ =	swait.ge [sflag:s16], $0x4000  }
0x2f: {  	s28 =	simm.s32 $0x0;
	[sflag:s16] =	ssyncset.done $0x0  }
0x30: {  	s23 =	sand.u32 $0x3C00, s28;
	[sflag:s16] =	ssyncadd.s32 $0xFFFFC000  }
0x31: {  	[spmem:s11] =	stream.linear.scatter [tilespmem:s15], [sflag:$0x2], $0x4000, $0x38;
	[tilespmem:$0x18100] =	vst v63  }
0x32: {  	s22 =	sand.u32 $0x380, s28;
	s23 =	sadd.s32 s12, s23;
	_ =	swait.ge [sflag:s16], $0x4000  }
0x33: {  	s22 =	sor.u32 s22, s23;
	[sflag:s16] =	ssyncset.done $0x0  }
0x34: {  	s22 =	sshrl.u32 s22, $0x3;
	[sflag:s16] =	ssyncadd.s32 $0xFFFFC000  }
0x35: {  	s29 =	sadd.s32 s5, s22;
	[bflag:$0x0] =	sbarrier.arrive $0xFFFF  }
0x36: {  	[tilespmem:s4], [sflag:$0x2] =	stream.linear.gather [hbm4b:s29+s4], $0x80, $0x38;
	[tilespmem:$0x18100] =	vst v63  }
0x37: {  	_ =	swait.ge [sflag:s16], $0x80  }
0x38: {  	[sflag:s16] =	ssyncset.done $0x0  }
0x39: {  	s22 =	sadd.s32 s6, s22;
	[sflag:s16] =	ssyncadd.s32 $0xFFFFFF80  }
0x3a: {  	[tilespmem:s17], [sflag:$0x2] =	stream.linear.gather [hbm4b:s22+s4], $0x80, $0x38;
	[tilespmem:$0x18100] =	vst v63  }
0x3b: {  	_ =	swait.ge [sflag:s16], $0x80  }
0x3c: {  	[sflag:s16] =	ssyncset.done $0x0  }
0x3d: {  	[sflag:s16] =	ssyncadd.s32 $0xFFFFFF80  }
0x3e: {  	[tilespmem:s15], [sflag:$0x1] =	stream.indirect.gather [hbm4b:s0+s17], $0x80, s4, s17, $0xb8;
	[tilespmem:$0x18100] =	vst v63  }
0x3f: {  	_ =	swait.ge [sflag:s18], $0x4000  }
0x40: {  	s30 =	simm.s32 $0x80;
	[sflag:s18] =	ssyncset.done $0x0  }
0x41: {  	s31 =	sand.u32 $0x3C00, s30;
	[sflag:s18] =	ssyncadd.s32 $0xFFFFC000  }
0x42: {  	[spmem:s3] =	stream.indirect.scatter.add.f32 [tilespmem:s15], [sflag:$0x2], $0x80, s17, s17, $0xb8;
	[tilespmem:$0x18100] =	vst v63  }
0x43: {  	s24 =	sand.u32 $0x380, s30;
	s23 =	sadd.s32 s12, s31;
	_ =	swait.ge [sflag:s16], $0x4000  }
0x44: {  	s23 =	sor.u32 s24, s23;
	s22 =	simm.s32 $0x100;
	[sflag:s16] =	ssyncset.done $0x0  }
.LBB2_4:
0x45: {  	s23 =	sshrl.u32 s23, $0x3  }
0x46: {  	[sflag:s16] =	ssyncadd.s32 $0xFFFFC000;
	s24 =	smov.u32 s22;
	s25 =	sadd.s32 $0x80, s22  }
0x47: {  	p0 =	sne.s32 s22, $0x2700;
	s22 =	sadd.s32 s5, s23  }
0x48: {  	[tilespmem:s4], [sflag:$0x2] =	stream.linear.gather [hbm4b:s22+s4], $0x80, $0x38;
	[tilespmem:$0x18100] =	vst v63  }
0x49: {  	_ =	swait.ge [sflag:s16], $0x80  }
0x4a: {  	[sflag:s16] =	ssyncset.done $0x0  }
0x4b: {  	s22 =	sadd.s32 s6, s23;
	[sflag:s16] =	ssyncadd.s32 $0xFFFFFF80  }
0x4c: {  	[tilespmem:s17], [sflag:$0x2] =	stream.linear.gather [hbm4b:s22+s4], $0x80, $0x38;
	[tilespmem:$0x18100] =	vst v63  }
0x4d: {  	_ =	swait.ge [sflag:s16], $0x80  }
0x4e: {  	[sflag:s16] =	ssyncset.done $0x0  }
0x4f: {  	[sflag:s16] =	ssyncadd.s32 $0xFFFFFF80  }
0x50: {  	[tilespmem:s15], [sflag:$0x1] =	stream.indirect.gather [hbm4b:s0+s17], $0x80, s4, s17, $0xb8;
	[tilespmem:$0x18100] =	vst v63  }
0x51: {  	_ =	swait.ge [sflag:s18], $0x4000  }
.Ltmp1:
0x52: {  	[sflag:s18] =	ssyncset.done $0x0;
	(pc) =	sbr.rel @p0 .LBB2_4-.Ltmp1, $4  }
0x53: {  	s22 =	sand.u32 $0x3C00, s24;
	[sflag:s18] =	ssyncadd.s32 $0xFFFFC000  }
0x54: {  	[spmem:s3] =	stream.indirect.scatter.add.f32 [tilespmem:s15], [sflag:$0x2], $0x80, s17, s17, $0xb8;
	[tilespmem:$0x18100] =	vst v63  }
0x55: {  	s23 =	sand.u32 $0x380, s24;
	s22 =	sadd.s32 s12, s22;
	_ =	swait.ge [sflag:s16], $0x4000  }
0x56: {  	s23 =	sor.u32 s23, s22;
	s22 =	smov.u32 s25;
	[sflag:s16] =	ssyncset.done $0x0  }
0x57: {  	s22 =	sshrl.u32 s23, $0x3  }
0x58: {  	[sflag:s16] =	ssyncadd.s32 $0xFFFFC000;
	s23 =	sadd.s32 s5, s22  }
0x59: {  	[tilespmem:s4], [sflag:$0x2] =	stream.linear.gather [hbm4b:s23+s4], $0x80, $0x38;
	[tilespmem:$0x18100] =	vst v63  }
0x5a: {  	_ =	swait.ge [sflag:s16], $0x80  }
0x5b: {  	[sflag:s16] =	ssyncset.done $0x0  }
0x5c: {  	s22 =	sadd.s32 s6, s22;
	[sflag:s16] =	ssyncadd.s32 $0xFFFFFF80  }
0x5d: {  	[tilespmem:s17], [sflag:$0x2] =	stream.linear.gather [hbm4b:s22+s4], $0x80, $0x38;
	[tilespmem:$0x18100] =	vst v63  }
0x5e: {  	_ =	swait.ge [sflag:s16], $0x80  }
0x5f: {  	[sflag:s16] =	ssyncset.done $0x0  }
0x60: {  	[sflag:s16] =	ssyncadd.s32 $0xFFFFFF80  }
0x61: {  	[tilespmem:s15], [sflag:$0x1] =	stream.indirect.gather [hbm4b:s0+s17], $0x80, s4, s17, $0xb8;
	[tilespmem:$0x18100] =	vst v63  }
0x62: {  	_ =	swait.ge [sflag:s18], $0x4000  }
0x63: {  	[sflag:s18] =	ssyncset.done $0x0  }
0x64: {  	[sflag:s18] =	ssyncadd.s32 $0xFFFFC000  }
0x65: {  	[spmem:s3] =	stream.indirect.scatter.add.f32 [tilespmem:s15], [sflag:$0x2], $0x80, s17, s17, $0xb8;
	[tilespmem:$0x18100] =	vst v63  }
0x66: {  	_ =	swait.ge [sflag:s16], $0x4000  }
0x67: {  	s21 =	sadd.s32 $0x1, s21;
	[sflag:s16] =	ssyncset.done $0x0  }
0x68: {  	p0 =	sne.s32 s21, s14;
	[sflag:s16] =	ssyncadd.s32 $0xFFFFC000  }
.Ltmp2:
0x69: {  	[bflag:$0x0] =	sbarrier.arrive $0xFFFF;
	(pc) =	sbr.rel @p0 .LBB2_1-.Ltmp2, $4  }
0x6a: {  	[hbm:s13], [sflag:s19] =	dma.local [spmem:s20], $0x2800  }
0x6b: {  	_ =	swait.ge [sflag:s16], $0x2800  }
0x6c: {  	[sflag:s16] =	ssyncset.done $0x0  }
0x6d: {  	[sflag:s16] =	ssyncadd.s32 $0xFFFFD800  }
0x6e: {  	_ =	sfence.sel $0x180000  }
0x6f: {  	[bflag:$0x0] =	sbarrier.arrive $0xFFFF  }
0x70: {  	p0 =	sne.s32 s2, $0x0;
	_ =	strace $0x90000050  }
0x71: {  	s0 =	sadd.s32 @!p0 $0x100000, s1;
	[bflag:$0x2] =	sbarrier.arrive $0xFFFF  }
0x72: {  	[sflag:s0] =	ssyncadd.tile.s32 @!p0 $0x1;
	_ =	shalt  }
.Lfunc_end2:
_tile_overlayer_lowered:
.L_overlay_start_2:
0x73: {  	(tag) =	ssettag $0x2  }
0x74: {  	s0 =	rddreg [dreg:$0x0];
	s2 =	stileid.u32  }
0x75: {  	s1 =	rddreg [dreg:$0x1];
	p0 =	sne.s32 s2, $0x0  }
0x76: {  	s3 =	rddreg [dreg:$0x2];
	[bflag:$0x3] =	sbarrier.arrive $0xFFFF;
	s2 =	simm.s32 @!p0 $0x1C02  }
0x77: {  	[timem:s3], [sflag:s2] =	dma.local @!p0 [hbm:s0], s1  }
0x78: {  	s0 =	simm.s32 @!p0 $0x2  }
0x79: {  	_ =	swait.ge @!p0 [sflag:s0], s1  }
0x7a: {  	s1 =	ssub.s32 @!p0 $0x0, s1;
	[sflag:s0] =	ssyncset.done @!p0 $0x0  }
0x7b: {  	[sflag:s0] =	ssyncadd.s32 @!p0 s1  }
0x7c: {  	[bflag:$0x3] =	sbarrier.arrive $0xFFFF  }
0x7d: {  	_ =	shalt  }

</sc_bundles>
